<compile_context>
chip_gen: v7x
topology: tpu7x:2x2x1
jax: 0.10.2.dev20260603
libtpu: 0.0.44.dev20260713+nightly
codegen_flags: <defaults>
</compile_context>

<pallas_src>
import functools

import jax
import jax.numpy as jnp
import numpy as np
from jax import lax
from jax.experimental import pallas as pl
from jax.experimental.pallas import tpu as pltpu
from jax.experimental.pallas import tpu_sc as plsc

_B = 16384
_F = 2 * _B
_D = 32
_NC, _NS = 2, 16
_NW = _NC * _NS
_PER_W = _B // _NW
_CHUNK = 128
_NCHUNK = _PER_W // _CHUNK
_N = 1000000
_H = _N // 2
_BROWS = _N // 64
_EK = 1000


def _ent_relayout_body(a_ref, b_ref, o_ref):
  o_ref[:, 0:64] = a_ref[...]
  o_ref[:, 64:128] = b_ref[...]


def _ent_relayout(ent):
  grid = _H // _EK
  return pl.pallas_call(
      _ent_relayout_body,
      grid=(grid,),
      in_specs=[
          pl.BlockSpec((_EK, 64), lambda i: (i, 0)),
          pl.BlockSpec((_EK, 64), lambda i: (i + _H // _EK, 0)),
      ],
      out_specs=pl.BlockSpec((_EK, 128), lambda i: (i, 0)),
      out_shape=jax.ShapeDtypeStruct((_H, 128), jnp.float32),
  )(ent, ent)


def _eps():
  nk = jax.random.key(42)
  eps_b = jax.random.normal(
      jax.random.fold_in(nk, 0), (1, _F), dtype=jnp.float32).reshape(_B, 2)
  eps_e = jax.random.normal(
      jax.random.fold_in(nk, 1), (1, _F, _D), dtype=jnp.float32
  ).reshape(_B, 2 * _D)
  return eps_b, eps_e


def _sc_gather(eu_idx, ei_idx, bu_idx, bi_idx, bias16, ent64):
  mesh = plsc.VectorSubcoreMesh(core_axis_name="c", subcore_axis_name="s")

  @functools.partial(
      pl.kernel,
      mesh=mesh,
      out_type=[
          jax.ShapeDtypeStruct((_B, 128), jnp.float32),
          jax.ShapeDtypeStruct((_B, 128), jnp.float32),
          jax.ShapeDtypeStruct((_B, 128), jnp.float32),
          jax.ShapeDtypeStruct((_B, 128), jnp.float32),
      ],
      scratch_types=[
          pltpu.VMEM((_NCHUNK, _CHUNK), jnp.int32),
          pltpu.VMEM((_NCHUNK, _CHUNK), jnp.int32),
          pltpu.VMEM((_NCHUNK, _CHUNK), jnp.int32),
          pltpu.VMEM((_NCHUNK, _CHUNK), jnp.int32),
          pltpu.VMEM((_CHUNK, 128), jnp.float32),
          pltpu.VMEM((_CHUNK, 128), jnp.float32),
          pltpu.VMEM((_CHUNK, 128), jnp.float32),
          pltpu.VMEM((_CHUNK, 128), jnp.float32),
          pltpu.SemaphoreType.DMA,
      ],
  )
  def gather(eu_hbm, ei_hbm, bu_hbm, bi_hbm, bias_hbm, ent_hbm,
             eu_out, ei_out, bu_out, bi_out,
             eu_i, ei_i, bu_i, bi_i, eu_v, ei_v, bu_v, bi_v, sem):
    wid = lax.axis_index("s") * _NC + lax.axis_index("c")
    base = wid * _PER_W
    pltpu.sync_copy(eu_hbm.at[pl.ds(wid * _NCHUNK, _NCHUNK)], eu_i)
    pltpu.sync_copy(ei_hbm.at[pl.ds(wid * _NCHUNK, _NCHUNK)], ei_i)
    pltpu.sync_copy(bu_hbm.at[pl.ds(wid * _NCHUNK, _NCHUNK)], bu_i)
    pltpu.sync_copy(bi_hbm.at[pl.ds(wid * _NCHUNK, _NCHUNK)], bi_i)
    for c in range(_NCHUNK):
      row = base + c * _CHUNK
      w1 = pltpu.async_copy(ent_hbm.at[eu_i.at[c]], eu_v, sem)
      w2 = pltpu.async_copy(ent_hbm.at[ei_i.at[c]], ei_v, sem)
      w3 = pltpu.async_copy(bias_hbm.at[bu_i.at[c]], bu_v, sem)
      w4 = pltpu.async_copy(bias_hbm.at[bi_i.at[c]], bi_v, sem)
      w1.wait(); w2.wait(); w3.wait(); w4.wait()
      pltpu.sync_copy(eu_v, eu_out.at[pl.ds(row, _CHUNK)])
      pltpu.sync_copy(ei_v, ei_out.at[pl.ds(row, _CHUNK)])
      pltpu.sync_copy(bu_v, bu_out.at[pl.ds(row, _CHUNK)])
      pltpu.sync_copy(bi_v, bi_out.at[pl.ds(row, _CHUNK)])

  return gather(eu_idx, ei_idx, bu_idx, bi_idx, bias16, ent64)


def _softplus(v):
  return jnp.logaddexp(v, 0.0)


_RB = 1024


def _tc_body(x_ref, eu_ref, ei_ref, bu_ref, bi_ref, epsb_ref, epse_ref,
             alpha_ref, mean_ref, std_ref, klu_ref, klv_ref):
  xb = x_ref[...]
  eu2 = eu_ref[...]
  ei2 = ei_ref[...]
  bu2 = bu_ref[...]
  bi2 = bi_ref[...]
  eb = epsb_ref[...]
  ee = epse_ref[...]

  pu = xb[:, 0:1] >= _H
  pv = xb[:, 1:2] >= _H
  loc_eu = jnp.where(pu, eu2[:, 64:96], eu2[:, 0:32])
  raw_eu = jnp.where(pu, eu2[:, 96:128], eu2[:, 32:64])
  loc_ev = jnp.where(pv, ei2[:, 64:96], ei2[:, 0:32])
  raw_ev = jnp.where(pv, ei2[:, 96:128], ei2[:, 32:64])

  lanes = lax.broadcasted_iota(jnp.int32, (_RB, 128), 1)
  zero = jnp.zeros_like(bu2)

  def pick(b2, target):
    return jnp.sum(jnp.where(lanes == target, b2, zero), axis=1,
                   keepdims=True)

  mu = (xb[:, 0:1] & 63) * 2
  mv = (xb[:, 1:2] & 63) * 2
  loc_u = pick(bu2, mu)
  raw_u = pick(bu2, mu + 1)
  loc_v = pick(bi2, mv)
  raw_v = pick(bi2, mv + 1)

  sp_u = _softplus(raw_u)
  sp_v = _softplus(raw_v)
  bias_part = loc_u + loc_v + sp_u * eb[:, 0:1] + sp_v * eb[:, 1:2]

  s_u = loc_eu + _softplus(raw_eu) * ee[:, 0:_D]
  s_v = loc_ev + _softplus(raw_ev) * ee[:, _D:]
  emb = jnp.sum(s_u * s_v, axis=1, keepdims=True)

  mean_ref[...] = bias_part + emb
  klu_ref[...] = -jnp.log(sp_u) + (sp_u * sp_u + loc_u * loc_u) * 0.5 - 0.5
  klv_ref[...] = -jnp.log(sp_v) + (sp_v * sp_v + loc_v * loc_v) * 0.5 - 0.5

  @pl.when(pl.program_id(0) == 0)
  def _():
    std_ref[...] = jnp.sqrt(1.0 / _softplus(alpha_ref[...]))


def _tc_compute(x, eu, ei, bu, bi, epsb, epse, alpha11):
  grid = _B // _RB
  return pl.pallas_call(
      _tc_body,
      grid=(grid,),
      in_specs=[
          pl.BlockSpec((_RB, 2), lambda i: (i, 0)),
          pl.BlockSpec((_RB, 128), lambda i: (i, 0)),
          pl.BlockSpec((_RB, 128), lambda i: (i, 0)),
          pl.BlockSpec((_RB, 128), lambda i: (i, 0)),
          pl.BlockSpec((_RB, 128), lambda i: (i, 0)),
          pl.BlockSpec((_RB, 2), lambda i: (i, 0)),
          pl.BlockSpec((_RB, 2 * _D), lambda i: (i, 0)),
          pl.BlockSpec((1, 1), lambda i: (0, 0)),
      ],
      out_specs=[
          pl.BlockSpec((_RB, 1), lambda i: (i, 0)),
          pl.BlockSpec((1, 1), lambda i: (0, 0)),
          pl.BlockSpec((_RB, 1), lambda i: (i, 0)),
          pl.BlockSpec((_RB, 1), lambda i: (i, 0)),
      ],
      out_shape=[
          jax.ShapeDtypeStruct((_B, 1), jnp.float32),
          jax.ShapeDtypeStruct((1, 1), jnp.float32),
          jax.ShapeDtypeStruct((_B, 1), jnp.float32),
          jax.ShapeDtypeStruct((_B, 1), jnp.float32),
      ],
  )(x, eu, ei, bu, bi, epsb, epse, alpha11)


def kernel(x, bias_table, entity_table, alpha):
  xu = x[:, 0]
  xi = x[:, 1]
  shp = (_B // _CHUNK, _CHUNK)
  eu_idx = jnp.where(xu >= _H, xu - _H, xu).reshape(shp)
  ei_idx = jnp.where(xi >= _H, xi - _H, xi).reshape(shp)
  bu_idx = (xu >> 6).reshape(shp)
  bi_idx = (xi >> 6).reshape(shp)
  ent128 = _ent_relayout(entity_table)
  bias128 = bias_table.reshape(_BROWS, 128)
  eu, ei, bu, bi = _sc_gather(
      eu_idx, ei_idx, bu_idx, bi_idx, bias128, ent128)
  eps_b, eps_e = _eps()
  mean, std, klu, klv = _tc_compute(
      x, eu, ei, bu, bi, eps_b, eps_e, alpha.reshape(1, 1))
  kl = jnp.concatenate([klu, klv], axis=1).reshape(-1)
  return (mean.reshape(-1), std.reshape(-1), kl)

# --- scband reference (transcript-rebuilt; emitter-appended) ---
"""Pipeline reference for scband-cf-5686536700142 (READ-ONLY COPY).

The authoritative reference and input builder live on the scoring server;
editing this copy changes nothing except your own understanding.
"""

import jax, jax.numpy as jnp
import numpy as np

N_PLUS_M = 1000000
EMBEDDING_SIZE = 32
BATCH = 16384
N_VARIATIONAL_SAMPLES = 1

def _softplus(v):
    return jnp.logaddexp(v, 0.0)

def setup_inputs(seed: int = 0) -> dict:
    key = jax.random.key(seed)
    k1, k2, k3, k4 = jax.random.split(key, 4)
    # x holds (user_id, item_id) pairs, all indexing into the shared N+M table
    x = jax.random.randint(k1, (BATCH, 2), 0, N_PLUS_M)
    bias_table = jax.random.normal(k2, (N_PLUS_M, 2), dtype=jnp.float32) * 0.1
    entity_table = jax.random.normal(k3, (N_PLUS_M, 2 * EMBEDDING_SIZE), dtype=jnp.float32) * 0.1
    alpha = jax.random.uniform(k4, (1,), dtype=jnp.float32)
    return {"x": x, "bias_table": bias_table, "entity_table": entity_table, "alpha": alpha}

def reference(x, bias_table, entity_table, alpha):
    flat = x.reshape(-1)  # (2B,) user/item ids interleaved
    bias_batch = jnp.take(bias_table, flat, axis=0).reshape(-1, 2)            # (2B, 2)
    entity_batch = jnp.take(entity_table, flat, axis=0).reshape(-1, 2 * EMBEDDING_SIZE)  # (2B, 2D)
    loc_b = bias_batch[:, 0]
    scale_b = _softplus(bias_batch[:, 1])
    loc_e = entity_batch[:, :EMBEDDING_SIZE]
    scale_e = _softplus(entity_batch[:, EMBEDDING_SIZE:])  # diagonal of scale_tril
    # reparameterized samples (rsample), fixed noise key for determinism
    nk = jax.random.key(42)
    eps_b = jax.random.normal(jax.random.fold_in(nk, 0), (N_VARIATIONAL_SAMPLES, flat.shape[0]), dtype=jnp.float32)
    eps_e = jax.random.normal(jax.random.fold_in(nk, 1), (N_VARIATIONAL_SAMPLES, flat.shape[0], EMBEDDING_SIZE), dtype=jnp.float32)
    biases = (loc_b[None, :] + scale_b[None, :] * eps_b).reshape(N_VARIATIONAL_SAMPLES, -1, 2)
    entities = (loc_e[None, :, :] + scale_e[None, :, :] * eps_e).reshape(N_VARIATIONAL_SAMPLES, -1, 2, EMBEDDING_SIZE)
    sum_users_items_biases = biases.sum(axis=2).mean(axis=0).squeeze()   # (B,)
    users_items_emb = entities.prod(axis=2).sum(axis=2).mean(axis=0)     # (B,)
    std_dev = jnp.sqrt(1.0 / _softplus(alpha))
    mean = sum_users_items_biases + users_items_emb
    # KL( N(loc_b, scale_b) || N(0, 1) ) elementwise, shape (2B,)
    kl = -jnp.log(scale_b) + (scale_b ** 2 + loc_b ** 2) / 2.0 - 0.5
    return (mean, std_dev, kl)

if __name__ == "__main__":
    import jax
    _d = setup_inputs()
    print(jax.jit(kernel)(*tuple(_d.values())))

</pallas_src>

<mosaic_0001>
#map = affine_map<(d0, d1) -> (0, 0)>
module attributes {stable_mosaic.version = 14 : i64} {
  func.func @gather(%arg0: i32, %arg1: i32, %arg2: memref<128x128xi32, #tpu.memory_space<hbm>>, %arg3: memref<128x128xi32, #tpu.memory_space<hbm>>, %arg4: memref<128x128xi32, #tpu.memory_space<hbm>>, %arg5: memref<128x128xi32, #tpu.memory_space<hbm>>, %arg6: memref<15625x128xf32, #tpu.memory_space<hbm>>, %arg7: memref<500000x128xf32, #tpu.memory_space<hbm>>, %arg8: memref<16384x128xf32, #tpu.memory_space<hbm>>, %arg9: memref<16384x128xf32, #tpu.memory_space<hbm>>, %arg10: memref<16384x128xf32, #tpu.memory_space<hbm>>, %arg11: memref<16384x128xf32, #tpu.memory_space<hbm>>, %arg12: memref<4x128xi32, #tpu.memory_space<vmem>>, %arg13: memref<4x128xi32, #tpu.memory_space<vmem>>, %arg14: memref<4x128xi32, #tpu.memory_space<vmem>>, %arg15: memref<4x128xi32, #tpu.memory_space<vmem>>, %arg16: memref<128x128xf32, #tpu.memory_space<vmem>>, %arg17: memref<128x128xf32, #tpu.memory_space<vmem>>, %arg18: memref<128x128xf32, #tpu.memory_space<vmem>>, %arg19: memref<128x128xf32, #tpu.memory_space<vmem>>, %arg20: memref<!tpu.dma_semaphore, #tpu.memory_space<semaphore_mem>>) attributes {dimension_semantics = [#tpu.dimension_semantics<core_parallel>, #tpu.dimension_semantics<subcore_parallel>], iteration_bounds = array<i64: 2, 16>, scalar_prefetch = 0 : i64, scratch_operands = 9 : i64, tpu.core_type = #tpu.core_type<sc_vector_subcore>, window_params = [{transform_indices = #map}, {transform_indices = #map}, {transform_indices = #map}, {transform_indices = #map}, {transform_indices = #map}, {transform_indices = #map}, {transform_indices = #map}, {transform_indices = #map}, {transform_indices = #map}, {transform_indices = #map}]} {
    %mul3A = arith.constant 2 : i32
    %mul3A_0 = arith.muli %arg1, %mul3A : i32
    %add3A = arith.addi %mul3A_0, %arg0 : i32
    %mul3A_1 = arith.constant 512 : i32
    %mul3A_2 = arith.muli %add3A, %mul3A_1 : i32
    %mul3A_3 = arith.constant 4 : i32
    %mul3A_4 = arith.muli %add3A, %mul3A_3 : i32
    "tpu.region"() ({
      %run_scoped3A = tpu.sem_alloc : memref<!tpu.dma_semaphore, #tpu.memory_space<semaphore_mem>>
      %dma_start3A_241 = arith.constant 0 : i32
      %dma_start3A_242 = tpu.memref_slice %arg2[%mul3A_4, %dma_start3A_241] : memref<128x128xi32, #tpu.memory_space<hbm>> -> memref<4x128xi32, #tpu.memory_space<hbm>>
      %dma_start3A_243 = arith.constant 0 : i32
      %dma_start3A_244 = tpu.memref_slice %arg2[%mul3A_4, %dma_start3A_243] : memref<128x128xi32, #tpu.memory_space<hbm>> -> memref<4x128xi32, #tpu.memory_space<hbm>>
      tpu.enqueue_dma source(%dma_start3A_244 : memref<4x128xi32, #tpu.memory_space<hbm>>) target(%arg12 : memref<4x128xi32, #tpu.memory_space<vmem>>) target_semaphore(%run_scoped3A : memref<!tpu.dma_semaphore, #tpu.memory_space<semaphore_mem>>)
      %dma_wait3A_245 = arith.constant 0 : i32
      %dma_wait3A_246 = tpu.memref_slice %arg2[%mul3A_4, %dma_wait3A_245] : memref<128x128xi32, #tpu.memory_space<hbm>> -> memref<4x128xi32, #tpu.memory_space<hbm>>
      %dma_wait3A_247 = arith.constant 0 : i32
      %dma_wait3A_248 = tpu.memref_slice %arg2[%mul3A_4, %dma_wait3A_247] : memref<128x128xi32, #tpu.memory_space<hbm>> -> memref<4x128xi32, #tpu.memory_space<hbm>>
      tpu.wait_dma2 semaphore(%run_scoped3A : memref<!tpu.dma_semaphore, #tpu.memory_space<semaphore_mem>>) src(%dma_wait3A_248 : memref<4x128xi32, #tpu.memory_space<hbm>>) dst(%arg12 : memref<4x128xi32, #tpu.memory_space<vmem>>)
      tpu.yield
    }) : () -> ()
    %mul3A_5 = arith.constant 4 : i32
    %mul3A_6 = arith.muli %add3A, %mul3A_5 : i32
    "tpu.region"() ({
      %run_scoped3A = tpu.sem_alloc : memref<!tpu.dma_semaphore, #tpu.memory_space<semaphore_mem>>
      %dma_start3A_241 = arith.constant 0 : i32
      %dma_start3A_242 = tpu.memref_slice %arg3[%mul3A_6, %dma_start3A_241] : memref<128x128xi32, #tpu.memory_space<hbm>> -> memref<4x128xi32, #tpu.memory_space<hbm>>
      %dma_start3A_243 = arith.constant 0 : i32
      %dma_start3A_244 = tpu.memref_slice %arg3[%mul3A_6, %dma_start3A_243] : memref<128x128xi32, #tpu.memory_space<hbm>> -> memref<4x128xi32, #tpu.memory_space<hbm>>
      tpu.enqueue_dma source(%dma_start3A_244 : memref<4x128xi32, #tpu.memory_space<hbm>>) target(%arg13 : memref<4x128xi32, #tpu.memory_space<vmem>>) target_semaphore(%run_scoped3A : memref<!tpu.dma_semaphore, #tpu.memory_space<semaphore_mem>>)
      %dma_wait3A_245 = arith.constant 0 : i32
      %dma_wait3A_246 = tpu.memref_slice %arg3[%mul3A_6, %dma_wait3A_245] : memref<128x128xi32, #tpu.memory_space<hbm>> -> memref<4x128xi32, #tpu.memory_space<hbm>>
      %dma_wait3A_247 = arith.constant 0 : i32
      %dma_wait3A_248 = tpu.memref_slice %arg3[%mul3A_6, %dma_wait3A_247] : memref<128x128xi32, #tpu.memory_space<hbm>> -> memref<4x128xi32, #tpu.memory_space<hbm>>
      tpu.wait_dma2 semaphore(%run_scoped3A : memref<!tpu.dma_semaphore, #tpu.memory_space<semaphore_mem>>) src(%dma_wait3A_248 : memref<4x128xi32, #tpu.memory_space<hbm>>) dst(%arg13 : memref<4x128xi32, #tpu.memory_space<vmem>>)
      tpu.yield
    }) : () -> ()
    %mul3A_7 = arith.constant 4 : i32
    %mul3A_8 = arith.muli %add3A, %mul3A_7 : i32
    "tpu.region"() ({
      %run_scoped3A = tpu.sem_alloc : memref<!tpu.dma_semaphore, #tpu.memory_space<semaphore_mem>>
      %dma_start3A_241 = arith.constant 0 : i32
      %dma_start3A_242 = tpu.memref_slice %arg4[%mul3A_8, %dma_start3A_241] : memref<128x128xi32, #tpu.memory_space<hbm>> -> memref<4x128xi32, #tpu.memory_space<hbm>>
      %dma_start3A_243 = arith.constant 0 : i32
      %dma_start3A_244 = tpu.memref_slice %arg4[%mul3A_8, %dma_start3A_243] : memref<128x128xi32, #tpu.memory_space<hbm>> -> memref<4x128xi32, #tpu.memory_space<hbm>>
      tpu.enqueue_dma source(%dma_start3A_244 : memref<4x128xi32, #tpu.memory_space<hbm>>) target(%arg14 : memref<4x128xi32, #tpu.memory_space<vmem>>) target_semaphore(%run_scoped3A : memref<!tpu.dma_semaphore, #tpu.memory_space<semaphore_mem>>)
      %dma_wait3A_245 = arith.constant 0 : i32
      %dma_wait3A_246 = tpu.memref_slice %arg4[%mul3A_8, %dma_wait3A_245] : memref<128x128xi32, #tpu.memory_space<hbm>> -> memref<4x128xi32, #tpu.memory_space<hbm>>
      %dma_wait3A_247 = arith.constant 0 : i32
      %dma_wait3A_248 = tpu.memref_slice %arg4[%mul3A_8, %dma_wait3A_247] : memref<128x128xi32, #tpu.memory_space<hbm>> -> memref<4x128xi32, #tpu.memory_space<hbm>>
      tpu.wait_dma2 semaphore(%run_scoped3A : memref<!tpu.dma_semaphore, #tpu.memory_space<semaphore_mem>>) src(%dma_wait3A_248 : memref<4x128xi32, #tpu.memory_space<hbm>>) dst(%arg14 : memref<4x128xi32, #tpu.memory_space<vmem>>)
      tpu.yield
    }) : () -> ()
    %mul3A_9 = arith.constant 4 : i32
    %mul3A_10 = arith.muli %add3A, %mul3A_9 : i32
    "tpu.region"() ({
      %run_scoped3A = tpu.sem_alloc : memref<!tpu.dma_semaphore, #tpu.memory_space<semaphore_mem>>
      %dma_start3A_241 = arith.constant 0 : i32
      %dma_start3A_242 = tpu.memref_slice %arg5[%mul3A_10, %dma_start3A_241] : memref<128x128xi32, #tpu.memory_space<hbm>> -> memref<4x128xi32, #tpu.memory_space<hbm>>
      %dma_start3A_243 = arith.constant 0 : i32
      %dma_start3A_244 = tpu.memref_slice %arg5[%mul3A_10, %dma_start3A_243] : memref<128x128xi32, #tpu.memory_space<hbm>> -> memref<4x128xi32, #tpu.memory_space<hbm>>
      tpu.enqueue_dma source(%dma_start3A_244 : memref<4x128xi32, #tpu.memory_space<hbm>>) target(%arg15 : memref<4x128xi32, #tpu.memory_space<vmem>>) target_semaphore(%run_scoped3A : memref<!tpu.dma_semaphore, #tpu.memory_space<semaphore_mem>>)
      %dma_wait3A_245 = arith.constant 0 : i32
      %dma_wait3A_246 = tpu.memref_slice %arg5[%mul3A_10, %dma_wait3A_245] : memref<128x128xi32, #tpu.memory_space<hbm>> -> memref<4x128xi32, #tpu.memory_space<hbm>>
      %dma_wait3A_247 = arith.constant 0 : i32
      %dma_wait3A_248 = tpu.memref_slice %arg5[%mul3A_10, %dma_wait3A_247] : memref<128x128xi32, #tpu.memory_space<hbm>> -> memref<4x128xi32, #tpu.memory_space<hbm>>
      tpu.wait_dma2 semaphore(%run_scoped3A : memref<!tpu.dma_semaphore, #tpu.memory_space<semaphore_mem>>) src(%dma_wait3A_248 : memref<4x128xi32, #tpu.memory_space<hbm>>) dst(%arg15 : memref<4x128xi32, #tpu.memory_space<vmem>>)
      tpu.yield
    }) : () -> ()
    %add3A_11 = arith.constant 0 : i32
    %add3A_12 = arith.addi %mul3A_2, %add3A_11 : i32
    %dma_start3A = arith.constant 0 : i32
    %dma_start3A_13 = arith.constant 0 : i32
    %dma_start3A_14 = tpu.memref_slice %arg12[%dma_start3A, %dma_start3A_13] : memref<4x128xi32, #tpu.memory_space<vmem>> -> memref<1x128xi32, #tpu.memory_space<vmem>>
    %dma_start3A_15 = tpu.memref_squeeze %dma_start3A_14 : memref<1x128xi32, #tpu.memory_space<vmem>> -> memref<128xi32, #tpu.memory_space<vmem>>
    %dma_start3A_16 = arith.constant 0 : i32
    %dma_start3A_17 = arith.constant 0 : i32
    %dma_start3A_18 = tpu.memref_slice %arg7[%dma_start3A_16, %dma_start3A_17] : memref<500000x128xf32, #tpu.memory_space<hbm>> -> memref<500000x128xf32, #tpu.memory_space<hbm>>
    tpu.enqueue_indirect_dma source(%dma_start3A_18 : memref<500000x128xf32, #tpu.memory_space<hbm>>) target(%arg16 : memref<128x128xf32, #tpu.memory_space<vmem>>) offsets(%dma_start3A_15 : memref<128xi32, #tpu.memory_space<vmem>>) semaphore(%arg20 : memref<!tpu.dma_semaphore, #tpu.memory_space<semaphore_mem>>)
    %dma_start3A_19 = arith.constant 0 : i32
    %dma_start3A_20 = arith.constant 0 : i32
    %dma_start3A_21 = tpu.memref_slice %arg13[%dma_start3A_19, %dma_start3A_20] : memref<4x128xi32, #tpu.memory_space<vmem>> -> memref<1x128xi32, #tpu.memory_space<vmem>>
    %dma_start3A_22 = tpu.memref_squeeze %dma_start3A_21 : memref<1x128xi32, #tpu.memory_space<vmem>> -> memref<128xi32, #tpu.memory_space<vmem>>
    %dma_start3A_23 = arith.constant 0 : i32
    %dma_start3A_24 = arith.constant 0 : i32
    %dma_start3A_25 = tpu.memref_slice %arg7[%dma_start3A_23, %dma_start3A_24] : memref<500000x128xf32, #tpu.memory_space<hbm>> -> memref<500000x128xf32, #tpu.memory_space<hbm>>
    tpu.enqueue_indirect_dma source(%dma_start3A_25 : memref<500000x128xf32, #tpu.memory_space<hbm>>) target(%arg17 : memref<128x128xf32, #tpu.memory_space<vmem>>) offsets(%dma_start3A_22 : memref<128xi32, #tpu.memory_space<vmem>>) semaphore(%arg20 : memref<!tpu.dma_semaphore, #tpu.memory_space<semaphore_mem>>)
    %dma_start3A_26 = arith.constant 0 : i32
    %dma_start3A_27 = arith.constant 0 : i32
    %dma_start3A_28 = tpu.memref_slice %arg14[%dma_start3A_26, %dma_start3A_27] : memref<4x128xi32, #tpu.memory_space<vmem>> -> memref<1x128xi32, #tpu.memory_space<vmem>>
    %dma_start3A_29 = tpu.memref_squeeze %dma_start3A_28 : memref<1x128xi32, #tpu.memory_space<vmem>> -> memref<128xi32, #tpu.memory_space<vmem>>
    %dma_start3A_30 = arith.constant 0 : i32
    %dma_start3A_31 = arith.constant 0 : i32
    %dma_start3A_32 = tpu.memref_slice %arg6[%dma_start3A_30, %dma_start3A_31] : memref<15625x128xf32, #tpu.memory_space<hbm>> -> memref<15625x128xf32, #tpu.memory_space<hbm>>
    tpu.enqueue_indirect_dma source(%dma_start3A_32 : memref<15625x128xf32, #tpu.memory_space<hbm>>) target(%arg18 : memref<128x128xf32, #tpu.memory_space<vmem>>) offsets(%dma_start3A_29 : memref<128xi32, #tpu.memory_space<vmem>>) semaphore(%arg20 : memref<!tpu.dma_semaphore, #tpu.memory_space<semaphore_mem>>)
    %dma_start3A_33 = arith.constant 0 : i32
    %dma_start3A_34 = arith.constant 0 : i32
    %dma_start3A_35 = tpu.memref_slice %arg15[%dma_start3A_33, %dma_start3A_34] : memref<4x128xi32, #tpu.memory_space<vmem>> -> memref<1x128xi32, #tpu.memory_space<vmem>>
    %dma_start3A_36 = tpu.memref_squeeze %dma_start3A_35 : memref<1x128xi32, #tpu.memory_space<vmem>> -> memref<128xi32, #tpu.memory_space<vmem>>
    %dma_start3A_37 = arith.constant 0 : i32
    %dma_start3A_38 = arith.constant 0 : i32
    %dma_start3A_39 = tpu.memref_slice %arg6[%dma_start3A_37, %dma_start3A_38] : memref<15625x128xf32, #tpu.memory_space<hbm>> -> memref<15625x128xf32, #tpu.memory_space<hbm>>
    tpu.enqueue_indirect_dma source(%dma_start3A_39 : memref<15625x128xf32, #tpu.memory_space<hbm>>) target(%arg19 : memref<128x128xf32, #tpu.memory_space<vmem>>) offsets(%dma_start3A_36 : memref<128xi32, #tpu.memory_space<vmem>>) semaphore(%arg20 : memref<!tpu.dma_semaphore, #tpu.memory_space<semaphore_mem>>)
    %dma_wait3A = arith.constant 0 : i32
    %dma_wait3A_40 = arith.constant 0 : i32
    %dma_wait3A_41 = tpu.memref_slice %arg12[%dma_wait3A, %dma_wait3A_40] : memref<4x128xi32, #tpu.memory_space<vmem>> -> memref<1x128xi32, #tpu.memory_space<vmem>>
    %dma_wait3A_42 = tpu.memref_squeeze %dma_wait3A_41 : memref<1x128xi32, #tpu.memory_space<vmem>> -> memref<128xi32, #tpu.memory_space<vmem>>
    %dma_wait3A_43 = arith.constant 0 : i32
    %dma_wait3A_44 = arith.constant 0 : i32
    %dma_wait3A_45 = tpu.memref_slice %arg7[%dma_wait3A_43, %dma_wait3A_44] : memref<500000x128xf32, #tpu.memory_space<hbm>> -> memref<500000x128xf32, #tpu.memory_space<hbm>>
    tpu.wait_indirect_dma semaphore(%arg20 : memref<!tpu.dma_semaphore, #tpu.memory_space<semaphore_mem>>) src(%dma_wait3A_45 : memref<500000x128xf32, #tpu.memory_space<hbm>>) dst(%arg16 : memref<128x128xf32, #tpu.memory_space<vmem>>)
    %dma_wait3A_46 = arith.constant 0 : i32
    %dma_wait3A_47 = arith.constant 0 : i32
    %dma_wait3A_48 = tpu.memref_slice %arg13[%dma_wait3A_46, %dma_wait3A_47] : memref<4x128xi32, #tpu.memory_space<vmem>> -> memref<1x128xi32, #tpu.memory_space<vmem>>
    %dma_wait3A_49 = tpu.memref_squeeze %dma_wait3A_48 : memref<1x128xi32, #tpu.memory_space<vmem>> -> memref<128xi32, #tpu.memory_space<vmem>>
    %dma_wait3A_50 = arith.constant 0 : i32
    %dma_wait3A_51 = arith.constant 0 : i32
    %dma_wait3A_52 = tpu.memref_slice %arg7[%dma_wait3A_50, %dma_wait3A_51] : memref<500000x128xf32, #tpu.memory_space<hbm>> -> memref<500000x128xf32, #tpu.memory_space<hbm>>
    tpu.wait_indirect_dma semaphore(%arg20 : memref<!tpu.dma_semaphore, #tpu.memory_space<semaphore_mem>>) src(%dma_wait3A_52 : memref<500000x128xf32, #tpu.memory_space<hbm>>) dst(%arg17 : memref<128x128xf32, #tpu.memory_space<vmem>>)
    %dma_wait3A_53 = arith.constant 0 : i32
    %dma_wait3A_54 = arith.constant 0 : i32
    %dma_wait3A_55 = tpu.memref_slice %arg14[%dma_wait3A_53, %dma_wait3A_54] : memref<4x128xi32, #tpu.memory_space<vmem>> -> memref<1x128xi32, #tpu.memory_space<vmem>>
    %dma_wait3A_56 = tpu.memref_squeeze %dma_wait3A_55 : memref<1x128xi32, #tpu.memory_space<vmem>> -> memref<128xi32, #tpu.memory_space<vmem>>
    %dma_wait3A_57 = arith.constant 0 : i32
    %dma_wait3A_58 = arith.constant 0 : i32
    %dma_wait3A_59 = tpu.memref_slice %arg6[%dma_wait3A_57, %dma_wait3A_58] : memref<15625x128xf32, #tpu.memory_space<hbm>> -> memref<15625x128xf32, #tpu.memory_space<hbm>>
    tpu.wait_indirect_dma semaphore(%arg20 : memref<!tpu.dma_semaphore, #tpu.memory_space<semaphore_mem>>) src(%dma_wait3A_59 : memref<15625x128xf32, #tpu.memory_space<hbm>>) dst(%arg18 : memref<128x128xf32, #tpu.memory_space<vmem>>)
    %dma_wait3A_60 = arith.constant 0 : i32
    %dma_wait3A_61 = arith.constant 0 : i32
    %dma_wait3A_62 = tpu.memref_slice %arg15[%dma_wait3A_60, %dma_wait3A_61] : memref<4x128xi32, #tpu.memory_space<vmem>> -> memref<1x128xi32, #tpu.memory_space<vmem>>
    %dma_wait3A_63 = tpu.memref_squeeze %dma_wait3A_62 : memref<1x128xi32, #tpu.memory_space<vmem>> -> memref<128xi32, #tpu.memory_space<vmem>>
    %dma_wait3A_64 = arith.constant 0 : i32
    %dma_wait3A_65 = arith.constant 0 : i32
    %dma_wait3A_66 = tpu.memref_slice %arg6[%dma_wait3A_64, %dma_wait3A_65] : memref<15625x128xf32, #tpu.memory_space<hbm>> -> memref<15625x128xf32, #tpu.memory_space<hbm>>
    tpu.wait_indirect_dma semaphore(%arg20 : memref<!tpu.dma_semaphore, #tpu.memory_space<semaphore_mem>>) src(%dma_wait3A_66 : memref<15625x128xf32, #tpu.memory_space<hbm>>) dst(%arg19 : memref<128x128xf32, #tpu.memory_space<vmem>>)
    "tpu.region"() ({
      %run_scoped3A = tpu.sem_alloc : memref<!tpu.dma_semaphore, #tpu.memory_space<semaphore_mem>>
      %dma_start3A_241 = arith.constant 0 : i32
      %dma_start3A_242 = tpu.memref_slice %arg8[%add3A_12, %dma_start3A_241] : memref<16384x128xf32, #tpu.memory_space<hbm>> -> memref<128x128xf32, #tpu.memory_space<hbm>>
      %dma_start3A_243 = arith.constant 0 : i32
      %dma_start3A_244 = tpu.memref_slice %arg8[%add3A_12, %dma_start3A_243] : memref<16384x128xf32, #tpu.memory_space<hbm>> -> memref<128x128xf32, #tpu.memory_space<hbm>>
      tpu.enqueue_dma source(%arg16 : memref<128x128xf32, #tpu.memory_space<vmem>>) target(%dma_start3A_244 : memref<128x128xf32, #tpu.memory_space<hbm>>) target_semaphore(%run_scoped3A : memref<!tpu.dma_semaphore, #tpu.memory_space<semaphore_mem>>)
      %dma_wait3A_245 = arith.constant 0 : i32
      %dma_wait3A_246 = tpu.memref_slice %arg8[%add3A_12, %dma_wait3A_245] : memref<16384x128xf32, #tpu.memory_space<hbm>> -> memref<128x128xf32, #tpu.memory_space<hbm>>
      %dma_wait3A_247 = arith.constant 0 : i32
      %dma_wait3A_248 = tpu.memref_slice %arg8[%add3A_12, %dma_wait3A_247] : memref<16384x128xf32, #tpu.memory_space<hbm>> -> memref<128x128xf32, #tpu.memory_space<hbm>>
      tpu.wait_dma2 semaphore(%run_scoped3A : memref<!tpu.dma_semaphore, #tpu.memory_space<semaphore_mem>>) src(%arg16 : memref<128x128xf32, #tpu.memory_space<vmem>>) dst(%dma_wait3A_248 : memref<128x128xf32, #tpu.memory_space<hbm>>)
      tpu.yield
    }) : () -> ()
    "tpu.region"() ({
      %run_scoped3A = tpu.sem_alloc : memref<!tpu.dma_semaphore, #tpu.memory_space<semaphore_mem>>
      %dma_start3A_241 = arith.constant 0 : i32
      %dma_start3A_242 = tpu.memref_slice %arg9[%add3A_12, %dma_start3A_241] : memref<16384x128xf32, #tpu.memory_space<hbm>> -> memref<128x128xf32, #tpu.memory_space<hbm>>
      %dma_start3A_243 = arith.constant 0 : i32
      %dma_start3A_244 = tpu.memref_slice %arg9[%add3A_12, %dma_start3A_243] : memref<16384x128xf32, #tpu.memory_space<hbm>> -> memref<128x128xf32, #tpu.memory_space<hbm>>
      tpu.enqueue_dma source(%arg17 : memref<128x128xf32, #tpu.memory_space<vmem>>) target(%dma_start3A_244 : memref<128x128xf32, #tpu.memory_space<hbm>>) target_semaphore(%run_scoped3A : memref<!tpu.dma_semaphore, #tpu.memory_space<semaphore_mem>>)
      %dma_wait3A_245 = arith.constant 0 : i32
      %dma_wait3A_246 = tpu.memref_slice %arg9[%add3A_12, %dma_wait3A_245] : memref<16384x128xf32, #tpu.memory_space<hbm>> -> memref<128x128xf32, #tpu.memory_space<hbm>>
      %dma_wait3A_247 = arith.constant 0 : i32
      %dma_wait3A_248 = tpu.memref_slice %arg9[%add3A_12, %dma_wait3A_247] : memref<16384x128xf32, #tpu.memory_space<hbm>> -> memref<128x128xf32, #tpu.memory_space<hbm>>
      tpu.wait_dma2 semaphore(%run_scoped3A : memref<!tpu.dma_semaphore, #tpu.memory_space<semaphore_mem>>) src(%arg17 : memref<128x128xf32, #tpu.memory_space<vmem>>) dst(%dma_wait3A_248 : memref<128x128xf32, #tpu.memory_space<hbm>>)
      tpu.yield
    }) : () -> ()
    "tpu.region"() ({
      %run_scoped3A = tpu.sem_alloc : memref<!tpu.dma_semaphore, #tpu.memory_space<semaphore_mem>>
      %dma_start3A_241 = arith.constant 0 : i32
      %dma_start3A_242 = tpu.memref_slice %arg10[%add3A_12, %dma_start3A_241] : memref<16384x128xf32, #tpu.memory_space<hbm>> -> memref<128x128xf32, #tpu.memory_space<hbm>>
      %dma_start3A_243 = arith.constant 0 : i32
      %dma_start3A_244 = tpu.memref_slice %arg10[%add3A_12, %dma_start3A_243] : memref<16384x128xf32, #tpu.memory_space<hbm>> -> memref<128x128xf32, #tpu.memory_space<hbm>>
      tpu.enqueue_dma source(%arg18 : memref<128x128xf32, #tpu.memory_space<vmem>>) target(%dma_start3A_244 : memref<128x128xf32, #tpu.memory_space<hbm>>) target_semaphore(%run_scoped3A : memref<!tpu.dma_semaphore, #tpu.memory_space<semaphore_mem>>)
      %dma_wait3A_245 = arith.constant 0 : i32
      %dma_wait3A_246 = tpu.memref_slice %arg10[%add3A_12, %dma_wait3A_245] : memref<16384x128xf32, #tpu.memory_space<hbm>> -> memref<128x128xf32, #tpu.memory_space<hbm>>
      %dma_wait3A_247 = arith.constant 0 : i32
      %dma_wait3A_248 = tpu.memref_slice %arg10[%add3A_12, %dma_wait3A_247] : memref<16384x128xf32, #tpu.memory_space<hbm>> -> memref<128x128xf32, #tpu.memory_space<hbm>>
      tpu.wait_dma2 semaphore(%run_scoped3A : memref<!tpu.dma_semaphore, #tpu.memory_space<semaphore_mem>>) src(%arg18 : memref<128x128xf32, #tpu.memory_space<vmem>>) dst(%dma_wait3A_248 : memref<128x128xf32, #tpu.memory_space<hbm>>)
      tpu.yield
    }) : () -> ()
    "tpu.region"() ({
      %run_scoped3A = tpu.sem_alloc : memref<!tpu.dma_semaphore, #tpu.memory_space<semaphore_mem>>
      %dma_start3A_241 = arith.constant 0 : i32
      %dma_start3A_242 = tpu.memref_slice %arg11[%add3A_12, %dma_start3A_241] : memref<16384x128xf32, #tpu.memory_space<hbm>> -> memref<128x128xf32, #tpu.memory_space<hbm>>
      %dma_start3A_243 = arith.constant 0 : i32
      %dma_start3A_244 = tpu.memref_slice %arg11[%add3A_12, %dma_start3A_243] : memref<16384x128xf32, #tpu.memory_space<hbm>> -> memref<128x128xf32, #tpu.memory_space<hbm>>
      tpu.enqueue_dma source(%arg19 : memref<128x128xf32, #tpu.memory_space<vmem>>) target(%dma_start3A_244 : memref<128x128xf32, #tpu.memory_space<hbm>>) target_semaphore(%run_scoped3A : memref<!tpu.dma_semaphore, #tpu.memory_space<semaphore_mem>>)
      %dma_wait3A_245 = arith.constant 0 : i32
      %dma_wait3A_246 = tpu.memref_slice %arg11[%add3A_12, %dma_wait3A_245] : memref<16384x128xf32, #tpu.memory_space<hbm>> -> memref<128x128xf32, #tpu.memory_space<hbm>>
      %dma_wait3A_247 = arith.constant 0 : i32
      %dma_wait3A_248 = tpu.memref_slice %arg11[%add3A_12, %dma_wait3A_247] : memref<16384x128xf32, #tpu.memory_space<hbm>> -> memref<128x128xf32, #tpu.memory_space<hbm>>
      tpu.wait_dma2 semaphore(%run_scoped3A : memref<!tpu.dma_semaphore, #tpu.memory_space<semaphore_mem>>) src(%arg19 : memref<128x128xf32, #tpu.memory_space<vmem>>) dst(%dma_wait3A_248 : memref<128x128xf32, #tpu.memory_space<hbm>>)
      tpu.yield
    }) : () -> ()
    %add3A_67 = arith.constant 128 : i32
    %add3A_68 = arith.addi %mul3A_2, %add3A_67 : i32
    %dma_start3A_69 = arith.constant 1 : i32
    %dma_start3A_70 = arith.constant 0 : i32
    %dma_start3A_71 = tpu.memref_slice %arg12[%dma_start3A_69, %dma_start3A_70] : memref<4x128xi32, #tpu.memory_space<vmem>> -> memref<1x128xi32, #tpu.memory_space<vmem>>
    %dma_start3A_72 = tpu.memref_squeeze %dma_start3A_71 : memref<1x128xi32, #tpu.memory_space<vmem>> -> memref<128xi32, #tpu.memory_space<vmem>>
    %dma_start3A_73 = arith.constant 0 : i32
    %dma_start3A_74 = arith.constant 0 : i32
    %dma_start3A_75 = tpu.memref_slice %arg7[%dma_start3A_73, %dma_start3A_74] : memref<500000x128xf32, #tpu.memory_space<hbm>> -> memref<500000x128xf32, #tpu.memory_space<hbm>>
    tpu.enqueue_indirect_dma source(%dma_start3A_75 : memref<500000x128xf32, #tpu.memory_space<hbm>>) target(%arg16 : memref<128x128xf32, #tpu.memory_space<vmem>>) offsets(%dma_start3A_72 : memref<128xi32, #tpu.memory_space<vmem>>) semaphore(%arg20 : memref<!tpu.dma_semaphore, #tpu.memory_space<semaphore_mem>>)
    %dma_start3A_76 = arith.constant 1 : i32
    %dma_start3A_77 = arith.constant 0 : i32
    %dma_start3A_78 = tpu.memref_slice %arg13[%dma_start3A_76, %dma_start3A_77] : memref<4x128xi32, #tpu.memory_space<vmem>> -> memref<1x128xi32, #tpu.memory_space<vmem>>
    %dma_start3A_79 = tpu.memref_squeeze %dma_start3A_78 : memref<1x128xi32, #tpu.memory_space<vmem>> -> memref<128xi32, #tpu.memory_space<vmem>>
    %dma_start3A_80 = arith.constant 0 : i32
    %dma_start3A_81 = arith.constant 0 : i32
    %dma_start3A_82 = tpu.memref_slice %arg7[%dma_start3A_80, %dma_start3A_81] : memref<500000x128xf32, #tpu.memory_space<hbm>> -> memref<500000x128xf32, #tpu.memory_space<hbm>>
    tpu.enqueue_indirect_dma source(%dma_start3A_82 : memref<500000x128xf32, #tpu.memory_space<hbm>>) target(%arg17 : memref<128x128xf32, #tpu.memory_space<vmem>>) offsets(%dma_start3A_79 : memref<128xi32, #tpu.memory_space<vmem>>) semaphore(%arg20 : memref<!tpu.dma_semaphore, #tpu.memory_space<semaphore_mem>>)
    %dma_start3A_83 = arith.constant 1 : i32
    %dma_start3A_84 = arith.constant 0 : i32
    %dma_start3A_85 = tpu.memref_slice %arg14[%dma_start3A_83, %dma_start3A_84] : memref<4x128xi32, #tpu.memory_space<vmem>> -> memref<1x128xi32, #tpu.memory_space<vmem>>
    %dma_start3A_86 = tpu.memref_squeeze %dma_start3A_85 : memref<1x128xi32, #tpu.memory_space<vmem>> -> memref<128xi32, #tpu.memory_space<vmem>>
    %dma_start3A_87 = arith.constant 0 : i32
    %dma_start3A_88 = arith.constant 0 : i32
    %dma_start3A_89 = tpu.memref_slice %arg6[%dma_start3A_87, %dma_start3A_88] : memref<15625x128xf32, #tpu.memory_space<hbm>> -> memref<15625x128xf32, #tpu.memory_space<hbm>>
    tpu.enqueue_indirect_dma source(%dma_start3A_89 : memref<15625x128xf32, #tpu.memory_space<hbm>>) target(%arg18 : memref<128x128xf32, #tpu.memory_space<vmem>>) offsets(%dma_start3A_86 : memref<128xi32, #tpu.memory_space<vmem>>) semaphore(%arg20 : memref<!tpu.dma_semaphore, #tpu.memory_space<semaphore_mem>>)
    %dma_start3A_90 = arith.constant 1 : i32
    %dma_start3A_91 = arith.constant 0 : i32
    %dma_start3A_92 = tpu.memref_slice %arg15[%dma_start3A_90, %dma_start3A_91] : memref<4x128xi32, #tpu.memory_space<vmem>> -> memref<1x128xi32, #tpu.memory_space<vmem>>
    %dma_start3A_93 = tpu.memref_squeeze %dma_start3A_92 : memref<1x128xi32, #tpu.memory_space<vmem>> -> memref<128xi32, #tpu.memory_space<vmem>>
    %dma_start3A_94 = arith.constant 0 : i32
    %dma_start3A_95 = arith.constant 0 : i32
    %dma_start3A_96 = tpu.memref_slice %arg6[%dma_start3A_94, %dma_start3A_95] : memref<15625x128xf32, #tpu.memory_space<hbm>> -> memref<15625x128xf32, #tpu.memory_space<hbm>>
    tpu.enqueue_indirect_dma source(%dma_start3A_96 : memref<15625x128xf32, #tpu.memory_space<hbm>>) target(%arg19 : memref<128x128xf32, #tpu.memory_space<vmem>>) offsets(%dma_start3A_93 : memref<128xi32, #tpu.memory_space<vmem>>) semaphore(%arg20 : memref<!tpu.dma_semaphore, #tpu.memory_space<semaphore_mem>>)
    %dma_wait3A_97 = arith.constant 1 : i32
    %dma_wait3A_98 = arith.constant 0 : i32
    %dma_wait3A_99 = tpu.memref_slice %arg12[%dma_wait3A_97, %dma_wait3A_98] : memref<4x128xi32, #tpu.memory_space<vmem>> -> memref<1x128xi32, #tpu.memory_space<vmem>>
    %dma_wait3A_100 = tpu.memref_squeeze %dma_wait3A_99 : memref<1x128xi32, #tpu.memory_space<vmem>> -> memref<128xi32, #tpu.memory_space<vmem>>
    %dma_wait3A_101 = arith.constant 0 : i32
    %dma_wait3A_102 = arith.constant 0 : i32
    %dma_wait3A_103 = tpu.memref_slice %arg7[%dma_wait3A_101, %dma_wait3A_102] : memref<500000x128xf32, #tpu.memory_space<hbm>> -> memref<500000x128xf32, #tpu.memory_space<hbm>>
    tpu.wait_indirect_dma semaphore(%arg20 : memref<!tpu.dma_semaphore, #tpu.memory_space<semaphore_mem>>) src(%dma_wait3A_103 : memref<500000x128xf32, #tpu.memory_space<hbm>>) dst(%arg16 : memref<128x128xf32, #tpu.memory_space<vmem>>)
    %dma_wait3A_104 = arith.constant 1 : i32
    %dma_wait3A_105 = arith.constant 0 : i32
    %dma_wait3A_106 = tpu.memref_slice %arg13[%dma_wait3A_104, %dma_wait3A_105] : memref<4x128xi32, #tpu.memory_space<vmem>> -> memref<1x128xi32, #tpu.memory_space<vmem>>
    %dma_wait3A_107 = tpu.memref_squeeze %dma_wait3A_106 : memref<1x128xi32, #tpu.memory_space<vmem>> -> memref<128xi32, #tpu.memory_space<vmem>>
    %dma_wait3A_108 = arith.constant 0 : i32
    %dma_wait3A_109 = arith.constant 0 : i32
    %dma_wait3A_110 = tpu.memref_slice %arg7[%dma_wait3A_108, %dma_wait3A_109] : memref<500000x128xf32, #tpu.memory_space<hbm>> -> memref<500000x128xf32, #tpu.memory_space<hbm>>
    tpu.wait_indirect_dma semaphore(%arg20 : memref<!tpu.dma_semaphore, #tpu.memory_space<semaphore_mem>>) src(%dma_wait3A_110 : memref<500000x128xf32, #tpu.memory_space<hbm>>) dst(%arg17 : memref<128x128xf32, #tpu.memory_space<vmem>>)
    %dma_wait3A_111 = arith.constant 1 : i32
    %dma_wait3A_112 = arith.constant 0 : i32
    %dma_wait3A_113 = tpu.memref_slice %arg14[%dma_wait3A_111, %dma_wait3A_112] : memref<4x128xi32, #tpu.memory_space<vmem>> -> memref<1x128xi32, #tpu.memory_space<vmem>>
    %dma_wait3A_114 = tpu.memref_squeeze %dma_wait3A_113 : memref<1x128xi32, #tpu.memory_space<vmem>> -> memref<128xi32, #tpu.memory_space<vmem>>
    %dma_wait3A_115 = arith.constant 0 : i32
    %dma_wait3A_116 = arith.constant 0 : i32
    %dma_wait3A_117 = tpu.memref_slice %arg6[%dma_wait3A_115, %dma_wait3A_116] : memref<15625x128xf32, #tpu.memory_space<hbm>> -> memref<15625x128xf32, #tpu.memory_space<hbm>>
    tpu.wait_indirect_dma semaphore(%arg20 : memref<!tpu.dma_semaphore, #tpu.memory_space<semaphore_mem>>) src(%dma_wait3A_117 : memref<15625x128xf32, #tpu.memory_space<hbm>>) dst(%arg18 : memref<128x128xf32, #tpu.memory_space<vmem>>)
    %dma_wait3A_118 = arith.constant 1 : i32
    %dma_wait3A_119 = arith.constant 0 : i32
    %dma_wait3A_120 = tpu.memref_slice %arg15[%dma_wait3A_118, %dma_wait3A_119] : memref<4x128xi32, #tpu.memory_space<vmem>> -> memref<1x128xi32, #tpu.memory_space<vmem>>
    %dma_wait3A_121 = tpu.memref_squeeze %dma_wait3A_120 : memref<1x128xi32, #tpu.memory_space<vmem>> -> memref<128xi32, #tpu.memory_space<vmem>>
    %dma_wait3A_122 = arith.constant 0 : i32
    %dma_wait3A_123 = arith.constant 0 : i32
    %dma_wait3A_124 = tpu.memref_slice %arg6[%dma_wait3A_122, %dma_wait3A_123] : memref<15625x128xf32, #tpu.memory_space<hbm>> -> memref<15625x128xf32, #tpu.memory_space<hbm>>
    tpu.wait_indirect_dma semaphore(%arg20 : memref<!tpu.dma_semaphore, #tpu.memory_space<semaphore_mem>>) src(%dma_wait3A_124 : memref<15625x128xf32, #tpu.memory_space<hbm>>) dst(%arg19 : memref<128x128xf32, #tpu.memory_space<vmem>>)
    "tpu.region"() ({
      %run_scoped3A = tpu.sem_alloc : memref<!tpu.dma_semaphore, #tpu.memory_space<semaphore_mem>>
      %dma_start3A_241 = arith.constant 0 : i32
      %dma_start3A_242 = tpu.memref_slice %arg8[%add3A_68, %dma_start3A_241] : memref<16384x128xf32, #tpu.memory_space<hbm>> -> memref<128x128xf32, #tpu.memory_space<hbm>>
      %dma_start3A_243 = arith.constant 0 : i32
      %dma_start3A_244 = tpu.memref_slice %arg8[%add3A_68, %dma_start3A_243] : memref<16384x128xf32, #tpu.memory_space<hbm>> -> memref<128x128xf32, #tpu.memory_space<hbm>>
      tpu.enqueue_dma source(%arg16 : memref<128x128xf32, #tpu.memory_space<vmem>>) target(%dma_start3A_244 : memref<128x128xf32, #tpu.memory_space<hbm>>) target_semaphore(%run_scoped3A : memref<!tpu.dma_semaphore, #tpu.memory_space<semaphore_mem>>)
      %dma_wait3A_245 = arith.constant 0 : i32
      %dma_wait3A_246 = tpu.memref_slice %arg8[%add3A_68, %dma_wait3A_245] : memref<16384x128xf32, #tpu.memory_space<hbm>> -> memref<128x128xf32, #tpu.memory_space<hbm>>
      %dma_wait3A_247 = arith.constant 0 : i32
      %dma_wait3A_248 = tpu.memref_slice %arg8[%add3A_68, %dma_wait3A_247] : memref<16384x128xf32, #tpu.memory_space<hbm>> -> memref<128x128xf32, #tpu.memory_space<hbm>>
      tpu.wait_dma2 semaphore(%run_scoped3A : memref<!tpu.dma_semaphore, #tpu.memory_space<semaphore_mem>>) src(%arg16 : memref<128x128xf32, #tpu.memory_space<vmem>>) dst(%dma_wait3A_248 : memref<128x128xf32, #tpu.memory_space<hbm>>)
      tpu.yield
    }) : () -> ()
    "tpu.region"() ({
      %run_scoped3A = tpu.sem_alloc : memref<!tpu.dma_semaphore, #tpu.memory_space<semaphore_mem>>
      %dma_start3A_241 = arith.constant 0 : i32
      %dma_start3A_242 = tpu.memref_slice %arg9[%add3A_68, %dma_start3A_241] : memref<16384x128xf32, #tpu.memory_space<hbm>> -> memref<128x128xf32, #tpu.memory_space<hbm>>
      %dma_start3A_243 = arith.constant 0 : i32
      %dma_start3A_244 = tpu.memref_slice %arg9[%add3A_68, %dma_start3A_243] : memref<16384x128xf32, #tpu.memory_space<hbm>> -> memref<128x128xf32, #tpu.memory_space<hbm>>
      tpu.enqueue_dma source(%arg17 : memref<128x128xf32, #tpu.memory_space<vmem>>) target(%dma_start3A_244 : memref<128x128xf32, #tpu.memory_space<hbm>>) target_semaphore(%run_scoped3A : memref<!tpu.dma_semaphore, #tpu.memory_space<semaphore_mem>>)
      %dma_wait3A_245 = arith.constant 0 : i32
      %dma_wait3A_246 = tpu.memref_slice %arg9[%add3A_68, %dma_wait3A_245] : memref<16384x128xf32, #tpu.memory_space<hbm>> -> memref<128x128xf32, #tpu.memory_space<hbm>>
      %dma_wait3A_247 = arith.constant 0 : i32
      %dma_wait3A_248 = tpu.memref_slice %arg9[%add3A_68, %dma_wait3A_247] : memref<16384x128xf32, #tpu.memory_space<hbm>> -> memref<128x128xf32, #tpu.memory_space<hbm>>
      tpu.wait_dma2 semaphore(%run_scoped3A : memref<!tpu.dma_semaphore, #tpu.memory_space<semaphore_mem>>) src(%arg17 : memref<128x128xf32, #tpu.memory_space<vmem>>) dst(%dma_wait3A_248 : memref<128x128xf32, #tpu.memory_space<hbm>>)
      tpu.yield
    }) : () -> ()
    "tpu.region"() ({
      %run_scoped3A = tpu.sem_alloc : memref<!tpu.dma_semaphore, #tpu.memory_space<semaphore_mem>>
      %dma_start3A_241 = arith.constant 0 : i32
      %dma_start3A_242 = tpu.memref_slice %arg10[%add3A_68, %dma_start3A_241] : memref<16384x128xf32, #tpu.memory_space<hbm>> -> memref<128x128xf32, #tpu.memory_space<hbm>>
      %dma_start3A_243 = arith.constant 0 : i32
      %dma_start3A_244 = tpu.memref_slice %arg10[%add3A_68, %dma_start3A_243] : memref<16384x128xf32, #tpu.memory_space<hbm>> -> memref<128x128xf32, #tpu.memory_space<hbm>>
      tpu.enqueue_dma source(%arg18 : memref<128x128xf32, #tpu.memory_space<vmem>>) target(%dma_start3A_244 : memref<128x128xf32, #tpu.memory_space<hbm>>) target_semaphore(%run_scoped3A : memref<!tpu.dma_semaphore, #tpu.memory_space<semaphore_mem>>)
      %dma_wait3A_245 = arith.constant 0 : i32
      %dma_wait3A_246 = tpu.memref_slice %arg10[%add3A_68, %dma_wait3A_245] : memref<16384x128xf32, #tpu.memory_space<hbm>> -> memref<128x128xf32, #tpu.memory_space<hbm>>
      %dma_wait3A_247 = arith.constant 0 : i32
      %dma_wait3A_248 = tpu.memref_slice %arg10[%add3A_68, %dma_wait3A_247] : memref<16384x128xf32, #tpu.memory_space<hbm>> -> memref<128x128xf32, #tpu.memory_space<hbm>>
      tpu.wait_dma2 semaphore(%run_scoped3A : memref<!tpu.dma_semaphore, #tpu.memory_space<semaphore_mem>>) src(%arg18 : memref<128x128xf32, #tpu.memory_space<vmem>>) dst(%dma_wait3A_248 : memref<128x128xf32, #tpu.memory_space<hbm>>)
      tpu.yield
    }) : () -> ()
    "tpu.region"() ({
      %run_scoped3A = tpu.sem_alloc : memref<!tpu.dma_semaphore, #tpu.memory_space<semaphore_mem>>
      %dma_start3A_241 = arith.constant 0 : i32
      %dma_start3A_242 = tpu.memref_slice %arg11[%add3A_68, %dma_start3A_241] : memref<16384x128xf32, #tpu.memory_space<hbm>> -> memref<128x128xf32, #tpu.memory_space<hbm>>
      %dma_start3A_243 = arith.constant 0 : i32
      %dma_start3A_244 = tpu.memref_slice %arg11[%add3A_68, %dma_start3A_243] : memref<16384x128xf32, #tpu.memory_space<hbm>> -> memref<128x128xf32, #tpu.memory_space<hbm>>
      tpu.enqueue_dma source(%arg19 : memref<128x128xf32, #tpu.memory_space<vmem>>) target(%dma_start3A_244 : memref<128x128xf32, #tpu.memory_space<hbm>>) target_semaphore(%run_scoped3A : memref<!tpu.dma_semaphore, #tpu.memory_space<semaphore_mem>>)
      %dma_wait3A_245 = arith.constant 0 : i32
      %dma_wait3A_246 = tpu.memref_slice %arg11[%add3A_68, %dma_wait3A_245] : memref<16384x128xf32, #tpu.memory_space<hbm>> -> memref<128x128xf32, #tpu.memory_space<hbm>>
      %dma_wait3A_247 = arith.constant 0 : i32
      %dma_wait3A_248 = tpu.memref_slice %arg11[%add3A_68, %dma_wait3A_247] : memref<16384x128xf32, #tpu.memory_space<hbm>> -> memref<128x128xf32, #tpu.memory_space<hbm>>
      tpu.wait_dma2 semaphore(%run_scoped3A : memref<!tpu.dma_semaphore, #tpu.memory_space<semaphore_mem>>) src(%arg19 : memref<128x128xf32, #tpu.memory_space<vmem>>) dst(%dma_wait3A_248 : memref<128x128xf32, #tpu.memory_space<hbm>>)
      tpu.yield
    }) : () -> ()
    %add3A_125 = arith.constant 256 : i32
    %add3A_126 = arith.addi %mul3A_2, %add3A_125 : i32
    %dma_start3A_127 = arith.constant 2 : i32
    %dma_start3A_128 = arith.constant 0 : i32
    %dma_start3A_129 = tpu.memref_slice %arg12[%dma_start3A_127, %dma_start3A_128] : memref<4x128xi32, #tpu.memory_space<vmem>> -> memref<1x128xi32, #tpu.memory_space<vmem>>
    %dma_start3A_130 = tpu.memref_squeeze %dma_start3A_129 : memref<1x128xi32, #tpu.memory_space<vmem>> -> memref<128xi32, #tpu.memory_space<vmem>>
    %dma_start3A_131 = arith.constant 0 : i32
    %dma_start3A_132 = arith.constant 0 : i32
    %dma_start3A_133 = tpu.memref_slice %arg7[%dma_start3A_131, %dma_start3A_132] : memref<500000x128xf32, #tpu.memory_space<hbm>> -> memref<500000x128xf32, #tpu.memory_space<hbm>>
    tpu.enqueue_indirect_dma source(%dma_start3A_133 : memref<500000x128xf32, #tpu.memory_space<hbm>>) target(%arg16 : memref<128x128xf32, #tpu.memory_space<vmem>>) offsets(%dma_start3A_130 : memref<128xi32, #tpu.memory_space<vmem>>) semaphore(%arg20 : memref<!tpu.dma_semaphore, #tpu.memory_space<semaphore_mem>>)
    %dma_start3A_134 = arith.constant 2 : i32
    %dma_start3A_135 = arith.constant 0 : i32
    %dma_start3A_136 = tpu.memref_slice %arg13[%dma_start3A_134, %dma_start3A_135] : memref<4x128xi32, #tpu.memory_space<vmem>> -> memref<1x128xi32, #tpu.memory_space<vmem>>
    %dma_start3A_137 = tpu.memref_squeeze %dma_start3A_136 : memref<1x128xi32, #tpu.memory_space<vmem>> -> memref<128xi32, #tpu.memory_space<vmem>>
    %dma_start3A_138 = arith.constant 0 : i32
    %dma_start3A_139 = arith.constant 0 : i32
    %dma_start3A_140 = tpu.memref_slice %arg7[%dma_start3A_138, %dma_start3A_139] : memref<500000x128xf32, #tpu.memory_space<hbm>> -> memref<500000x128xf32, #tpu.memory_space<hbm>>
    tpu.enqueue_indirect_dma source(%dma_start3A_140 : memref<500000x128xf32, #tpu.memory_space<hbm>>) target(%arg17 : memref<128x128xf32, #tpu.memory_space<vmem>>) offsets(%dma_start3A_137 : memref<128xi32, #tpu.memory_space<vmem>>) semaphore(%arg20 : memref<!tpu.dma_semaphore, #tpu.memory_space<semaphore_mem>>)
    %dma_start3A_141 = arith.constant 2 : i32
    %dma_start3A_142 = arith.constant 0 : i32
    %dma_start3A_143 = tpu.memref_slice %arg14[%dma_start3A_141, %dma_start3A_142] : memref<4x128xi32, #tpu.memory_space<vmem>> -> memref<1x128xi32, #tpu.memory_space<vmem>>
    %dma_start3A_144 = tpu.memref_squeeze %dma_start3A_143 : memref<1x128xi32, #tpu.memory_space<vmem>> -> memref<128xi32, #tpu.memory_space<vmem>>
    %dma_start3A_145 = arith.constant 0 : i32
    %dma_start3A_146 = arith.constant 0 : i32
    %dma_start3A_147 = tpu.memref_slice %arg6[%dma_start3A_145, %dma_start3A_146] : memref<15625x128xf32, #tpu.memory_space<hbm>> -> memref<15625x128xf32, #tpu.memory_space<hbm>>
    tpu.enqueue_indirect_dma source(%dma_start3A_147 : memref<15625x128xf32, #tpu.memory_space<hbm>>) target(%arg18 : memref<128x128xf32, #tpu.memory_space<vmem>>) offsets(%dma_start3A_144 : memref<128xi32, #tpu.memory_space<vmem>>) semaphore(%arg20 : memref<!tpu.dma_semaphore, #tpu.memory_space<semaphore_mem>>)
    %dma_start3A_148 = arith.constant 2 : i32
    %dma_start3A_149 = arith.constant 0 : i32
    %dma_start3A_150 = tpu.memref_slice %arg15[%dma_start3A_148, %dma_start3A_149] : memref<4x128xi32, #tpu.memory_space<vmem>> -> memref<1x128xi32, #tpu.memory_space<vmem>>
    %dma_start3A_151 = tpu.memref_squeeze %dma_start3A_150 : memref<1x128xi32, #tpu.memory_space<vmem>> -> memref<128xi32, #tpu.memory_space<vmem>>
    %dma_start3A_152 = arith.constant 0 : i32
    %dma_start3A_153 = arith.constant 0 : i32
    %dma_start3A_154 = tpu.memref_slice %arg6[%dma_start3A_152, %dma_start3A_153] : memref<15625x128xf32, #tpu.memory_space<hbm>> -> memref<15625x128xf32, #tpu.memory_space<hbm>>
    tpu.enqueue_indirect_dma source(%dma_start3A_154 : memref<15625x128xf32, #tpu.memory_space<hbm>>) target(%arg19 : memref<128x128xf32, #tpu.memory_space<vmem>>) offsets(%dma_start3A_151 : memref<128xi32, #tpu.memory_space<vmem>>) semaphore(%arg20 : memref<!tpu.dma_semaphore, #tpu.memory_space<semaphore_mem>>)
    %dma_wait3A_155 = arith.constant 2 : i32
    %dma_wait3A_156 = arith.constant 0 : i32
    %dma_wait3A_157 = tpu.memref_slice %arg12[%dma_wait3A_155, %dma_wait3A_156] : memref<4x128xi32, #tpu.memory_space<vmem>> -> memref<1x128xi32, #tpu.memory_space<vmem>>
    %dma_wait3A_158 = tpu.memref_squeeze %dma_wait3A_157 : memref<1x128xi32, #tpu.memory_space<vmem>> -> memref<128xi32, #tpu.memory_space<vmem>>
    %dma_wait3A_159 = arith.constant 0 : i32
    %dma_wait3A_160 = arith.constant 0 : i32
    %dma_wait3A_161 = tpu.memref_slice %arg7[%dma_wait3A_159, %dma_wait3A_160] : memref<500000x128xf32, #tpu.memory_space<hbm>> -> memref<500000x128xf32, #tpu.memory_space<hbm>>
    tpu.wait_indirect_dma semaphore(%arg20 : memref<!tpu.dma_semaphore, #tpu.memory_space<semaphore_mem>>) src(%dma_wait3A_161 : memref<500000x128xf32, #tpu.memory_space<hbm>>) dst(%arg16 : memref<128x128xf32, #tpu.memory_space<vmem>>)
    %dma_wait3A_162 = arith.constant 2 : i32
    %dma_wait3A_163 = arith.constant 0 : i32
    %dma_wait3A_164 = tpu.memref_slice %arg13[%dma_wait3A_162, %dma_wait3A_163] : memref<4x128xi32, #tpu.memory_space<vmem>> -> memref<1x128xi32, #tpu.memory_space<vmem>>
    %dma_wait3A_165 = tpu.memref_squeeze %dma_wait3A_164 : memref<1x128xi32, #tpu.memory_space<vmem>> -> memref<128xi32, #tpu.memory_space<vmem>>
    %dma_wait3A_166 = arith.constant 0 : i32
    %dma_wait3A_167 = arith.constant 0 : i32
    %dma_wait3A_168 = tpu.memref_slice %arg7[%dma_wait3A_166, %dma_wait3A_167] : memref<500000x128xf32, #tpu.memory_space<hbm>> -> memref<500000x128xf32, #tpu.memory_space<hbm>>
    tpu.wait_indirect_dma semaphore(%arg20 : memref<!tpu.dma_semaphore, #tpu.memory_space<semaphore_mem>>) src(%dma_wait3A_168 : memref<500000x128xf32, #tpu.memory_space<hbm>>) dst(%arg17 : memref<128x128xf32, #tpu.memory_space<vmem>>)
    %dma_wait3A_169 = arith.constant 2 : i32
    %dma_wait3A_170 = arith.constant 0 : i32
    %dma_wait3A_171 = tpu.memref_slice %arg14[%dma_wait3A_169, %dma_wait3A_170] : memref<4x128xi32, #tpu.memory_space<vmem>> -> memref<1x128xi32, #tpu.memory_space<vmem>>
    %dma_wait3A_172 = tpu.memref_squeeze %dma_wait3A_171 : memref<1x128xi32, #tpu.memory_space<vmem>> -> memref<128xi32, #tpu.memory_space<vmem>>
    %dma_wait3A_173 = arith.constant 0 : i32
    %dma_wait3A_174 = arith.constant 0 : i32
    %dma_wait3A_175 = tpu.memref_slice %arg6[%dma_wait3A_173, %dma_wait3A_174] : memref<15625x128xf32, #tpu.memory_space<hbm>> -> memref<15625x128xf32, #tpu.memory_space<hbm>>
    tpu.wait_indirect_dma semaphore(%arg20 : memref<!tpu.dma_semaphore, #tpu.memory_space<semaphore_mem>>) src(%dma_wait3A_175 : memref<15625x128xf32, #tpu.memory_space<hbm>>) dst(%arg18 : memref<128x128xf32, #tpu.memory_space<vmem>>)
    %dma_wait3A_176 = arith.constant 2 : i32
    %dma_wait3A_177 = arith.constant 0 : i32
    %dma_wait3A_178 = tpu.memref_slice %arg15[%dma_wait3A_176, %dma_wait3A_177] : memref<4x128xi32, #tpu.memory_space<vmem>> -> memref<1x128xi32, #tpu.memory_space<vmem>>
    %dma_wait3A_179 = tpu.memref_squeeze %dma_wait3A_178 : memref<1x128xi32, #tpu.memory_space<vmem>> -> memref<128xi32, #tpu.memory_space<vmem>>
    %dma_wait3A_180 = arith.constant 0 : i32
    %dma_wait3A_181 = arith.constant 0 : i32
    %dma_wait3A_182 = tpu.memref_slice %arg6[%dma_wait3A_180, %dma_wait3A_181] : memref<15625x128xf32, #tpu.memory_space<hbm>> -> memref<15625x128xf32, #tpu.memory_space<hbm>>
    tpu.wait_indirect_dma semaphore(%arg20 : memref<!tpu.dma_semaphore, #tpu.memory_space<semaphore_mem>>) src(%dma_wait3A_182 : memref<15625x128xf32, #tpu.memory_space<hbm>>) dst(%arg19 : memref<128x128xf32, #tpu.memory_space<vmem>>)
    "tpu.region"() ({
      %run_scoped3A = tpu.sem_alloc : memref<!tpu.dma_semaphore, #tpu.memory_space<semaphore_mem>>
      %dma_start3A_241 = arith.constant 0 : i32
      %dma_start3A_242 = tpu.memref_slice %arg8[%add3A_126, %dma_start3A_241] : memref<16384x128xf32, #tpu.memory_space<hbm>> -> memref<128x128xf32, #tpu.memory_space<hbm>>
      %dma_start3A_243 = arith.constant 0 : i32
      %dma_start3A_244 = tpu.memref_slice %arg8[%add3A_126, %dma_start3A_243] : memref<16384x128xf32, #tpu.memory_space<hbm>> -> memref<128x128xf32, #tpu.memory_space<hbm>>
      tpu.enqueue_dma source(%arg16 : memref<128x128xf32, #tpu.memory_space<vmem>>) target(%dma_start3A_244 : memref<128x128xf32, #tpu.memory_space<hbm>>) target_semaphore(%run_scoped3A : memref<!tpu.dma_semaphore, #tpu.memory_space<semaphore_mem>>)
      %dma_wait3A_245 = arith.constant 0 : i32
      %dma_wait3A_246 = tpu.memref_slice %arg8[%add3A_126, %dma_wait3A_245] : memref<16384x128xf32, #tpu.memory_space<hbm>> -> memref<128x128xf32, #tpu.memory_space<hbm>>
      %dma_wait3A_247 = arith.constant 0 : i32
      %dma_wait3A_248 = tpu.memref_slice %arg8[%add3A_126, %dma_wait3A_247] : memref<16384x128xf32, #tpu.memory_space<hbm>> -> memref<128x128xf32, #tpu.memory_space<hbm>>
      tpu.wait_dma2 semaphore(%run_scoped3A : memref<!tpu.dma_semaphore, #tpu.memory_space<semaphore_mem>>) src(%arg16 : memref<128x128xf32, #tpu.memory_space<vmem>>) dst(%dma_wait3A_248 : memref<128x128xf32, #tpu.memory_space<hbm>>)
      tpu.yield
    }) : () -> ()
    "tpu.region"() ({
      %run_scoped3A = tpu.sem_alloc : memref<!tpu.dma_semaphore, #tpu.memory_space<semaphore_mem>>
      %dma_start3A_241 = arith.constant 0 : i32
      %dma_start3A_242 = tpu.memref_slice %arg9[%add3A_126, %dma_start3A_241] : memref<16384x128xf32, #tpu.memory_space<hbm>> -> memref<128x128xf32, #tpu.memory_space<hbm>>
      %dma_start3A_243 = arith.constant 0 : i32
      %dma_start3A_244 = tpu.memref_slice %arg9[%add3A_126, %dma_start3A_243] : memref<16384x128xf32, #tpu.memory_space<hbm>> -> memref<128x128xf32, #tpu.memory_space<hbm>>
      tpu.enqueue_dma source(%arg17 : memref<128x128xf32, #tpu.memory_space<vmem>>) target(%dma_start3A_244 : memref<128x128xf32, #tpu.memory_space<hbm>>) target_semaphore(%run_scoped3A : memref<!tpu.dma_semaphore, #tpu.memory_space<semaphore_mem>>)
      %dma_wait3A_245 = arith.constant 0 : i32
      %dma_wait3A_246 = tpu.memref_slice %arg9[%add3A_126, %dma_wait3A_245] : memref<16384x128xf32, #tpu.memory_space<hbm>> -> memref<128x128xf32, #tpu.memory_space<hbm>>
      %dma_wait3A_247 = arith.constant 0 : i32
      %dma_wait3A_248 = tpu.memref_slice %arg9[%add3A_126, %dma_wait3A_247] : memref<16384x128xf32, #tpu.memory_space<hbm>> -> memref<128x128xf32, #tpu.memory_space<hbm>>
      tpu.wait_dma2 semaphore(%run_scoped3A : memref<!tpu.dma_semaphore, #tpu.memory_space<semaphore_mem>>) src(%arg17 : memref<128x128xf32, #tpu.memory_space<vmem>>) dst(%dma_wait3A_248 : memref<128x128xf32, #tpu.memory_space<hbm>>)
      tpu.yield
    }) : () -> ()
    "tpu.region"() ({
      %run_scoped3A = tpu.sem_alloc : memref<!tpu.dma_semaphore, #tpu.memory_space<semaphore_mem>>
      %dma_start3A_241 = arith.constant 0 : i32
      %dma_start3A_242 = tpu.memref_slice %arg10[%add3A_126, %dma_start3A_241] : memref<16384x128xf32, #tpu.memory_space<hbm>> -> memref<128x128xf32, #tpu.memory_space<hbm>>
      %dma_start3A_243 = arith.constant 0 : i32
      %dma_start3A_244 = tpu.memref_slice %arg10[%add3A_126, %dma_start3A_243] : memref<16384x128xf32, #tpu.memory_space<hbm>> -> memref<128x128xf32, #tpu.memory_space<hbm>>
      tpu.enqueue_dma source(%arg18 : memref<128x128xf32, #tpu.memory_space<vmem>>) target(%dma_start3A_244 : memref<128x128xf32, #tpu.memory_space<hbm>>) target_semaphore(%run_scoped3A : memref<!tpu.dma_semaphore, #tpu.memory_space<semaphore_mem>>)
      %dma_wait3A_245 = arith.constant 0 : i32
      %dma_wait3A_246 = tpu.memref_slice %arg10[%add3A_126, %dma_wait3A_245] : memref<16384x128xf32, #tpu.memory_space<hbm>> -> memref<128x128xf32, #tpu.memory_space<hbm>>
      %dma_wait3A_247 = arith.constant 0 : i32
      %dma_wait3A_248 = tpu.memref_slice %arg10[%add3A_126, %dma_wait3A_247] : memref<16384x128xf32, #tpu.memory_space<hbm>> -> memref<128x128xf32, #tpu.memory_space<hbm>>
      tpu.wait_dma2 semaphore(%run_scoped3A : memref<!tpu.dma_semaphore, #tpu.memory_space<semaphore_mem>>) src(%arg18 : memref<128x128xf32, #tpu.memory_space<vmem>>) dst(%dma_wait3A_248 : memref<128x128xf32, #tpu.memory_space<hbm>>)
      tpu.yield
    }) : () -> ()
    "tpu.region"() ({
      %run_scoped3A = tpu.sem_alloc : memref<!tpu.dma_semaphore, #tpu.memory_space<semaphore_mem>>
      %dma_start3A_241 = arith.constant 0 : i32
      %dma_start3A_242 = tpu.memref_slice %arg11[%add3A_126, %dma_start3A_241] : memref<16384x128xf32, #tpu.memory_space<hbm>> -> memref<128x128xf32, #tpu.memory_space<hbm>>
      %dma_start3A_243 = arith.constant 0 : i32
      %dma_start3A_244 = tpu.memref_slice %arg11[%add3A_126, %dma_start3A_243] : memref<16384x128xf32, #tpu.memory_space<hbm>> -> memref<128x128xf32, #tpu.memory_space<hbm>>
      tpu.enqueue_dma source(%arg19 : memref<128x128xf32, #tpu.memory_space<vmem>>) target(%dma_start3A_244 : memref<128x128xf32, #tpu.memory_space<hbm>>) target_semaphore(%run_scoped3A : memref<!tpu.dma_semaphore, #tpu.memory_space<semaphore_mem>>)
      %dma_wait3A_245 = arith.constant 0 : i32
      %dma_wait3A_246 = tpu.memref_slice %arg11[%add3A_126, %dma_wait3A_245] : memref<16384x128xf32, #tpu.memory_space<hbm>> -> memref<128x128xf32, #tpu.memory_space<hbm>>
      %dma_wait3A_247 = arith.constant 0 : i32
      %dma_wait3A_248 = tpu.memref_slice %arg11[%add3A_126, %dma_wait3A_247] : memref<16384x128xf32, #tpu.memory_space<hbm>> -> memref<128x128xf32, #tpu.memory_space<hbm>>
      tpu.wait_dma2 semaphore(%run_scoped3A : memref<!tpu.dma_semaphore, #tpu.memory_space<semaphore_mem>>) src(%arg19 : memref<128x128xf32, #tpu.memory_space<vmem>>) dst(%dma_wait3A_248 : memref<128x128xf32, #tpu.memory_space<hbm>>)
      tpu.yield
    }) : () -> ()
    %add3A_183 = arith.constant 384 : i32
    %add3A_184 = arith.addi %mul3A_2, %add3A_183 : i32
    %dma_start3A_185 = arith.constant 3 : i32
    %dma_start3A_186 = arith.constant 0 : i32
    %dma_start3A_187 = tpu.memref_slice %arg12[%dma_start3A_185, %dma_start3A_186] : memref<4x128xi32, #tpu.memory_space<vmem>> -> memref<1x128xi32, #tpu.memory_space<vmem>>
    %dma_start3A_188 = tpu.memref_squeeze %dma_start3A_187 : memref<1x128xi32, #tpu.memory_space<vmem>> -> memref<128xi32, #tpu.memory_space<vmem>>
    %dma_start3A_189 = arith.constant 0 : i32
    %dma_start3A_190 = arith.constant 0 : i32
    %dma_start3A_191 = tpu.memref_slice %arg7[%dma_start3A_189, %dma_start3A_190] : memref<500000x128xf32, #tpu.memory_space<hbm>> -> memref<500000x128xf32, #tpu.memory_space<hbm>>
    tpu.enqueue_indirect_dma source(%dma_start3A_191 : memref<500000x128xf32, #tpu.memory_space<hbm>>) target(%arg16 : memref<128x128xf32, #tpu.memory_space<vmem>>) offsets(%dma_start3A_188 : memref<128xi32, #tpu.memory_space<vmem>>) semaphore(%arg20 : memref<!tpu.dma_semaphore, #tpu.memory_space<semaphore_mem>>)
    %dma_start3A_192 = arith.constant 3 : i32
    %dma_start3A_193 = arith.constant 0 : i32
    %dma_start3A_194 = tpu.memref_slice %arg13[%dma_start3A_192, %dma_start3A_193] : memref<4x128xi32, #tpu.memory_space<vmem>> -> memref<1x128xi32, #tpu.memory_space<vmem>>
    %dma_start3A_195 = tpu.memref_squeeze %dma_start3A_194 : memref<1x128xi32, #tpu.memory_space<vmem>> -> memref<128xi32, #tpu.memory_space<vmem>>
    %dma_start3A_196 = arith.constant 0 : i32
    %dma_start3A_197 = arith.constant 0 : i32
    %dma_start3A_198 = tpu.memref_slice %arg7[%dma_start3A_196, %dma_start3A_197] : memref<500000x128xf32, #tpu.memory_space<hbm>> -> memref<500000x128xf32, #tpu.memory_space<hbm>>
    tpu.enqueue_indirect_dma source(%dma_start3A_198 : memref<500000x128xf32, #tpu.memory_space<hbm>>) target(%arg17 : memref<128x128xf32, #tpu.memory_space<vmem>>) offsets(%dma_start3A_195 : memref<128xi32, #tpu.memory_space<vmem>>) semaphore(%arg20 : memref<!tpu.dma_semaphore, #tpu.memory_space<semaphore_mem>>)
    %dma_start3A_199 = arith.constant 3 : i32
    %dma_start3A_200 = arith.constant 0 : i32
    %dma_start3A_201 = tpu.memref_slice %arg14[%dma_start3A_199, %dma_start3A_200] : memref<4x128xi32, #tpu.memory_space<vmem>> -> memref<1x128xi32, #tpu.memory_space<vmem>>
    %dma_start3A_202 = tpu.memref_squeeze %dma_start3A_201 : memref<1x128xi32, #tpu.memory_space<vmem>> -> memref<128xi32, #tpu.memory_space<vmem>>
    %dma_start3A_203 = arith.constant 0 : i32
    %dma_start3A_204 = arith.constant 0 : i32
    %dma_start3A_205 = tpu.memref_slice %arg6[%dma_start3A_203, %dma_start3A_204] : memref<15625x128xf32, #tpu.memory_space<hbm>> -> memref<15625x128xf32, #tpu.memory_space<hbm>>
    tpu.enqueue_indirect_dma source(%dma_start3A_205 : memref<15625x128xf32, #tpu.memory_space<hbm>>) target(%arg18 : memref<128x128xf32, #tpu.memory_space<vmem>>) offsets(%dma_start3A_202 : memref<128xi32, #tpu.memory_space<vmem>>) semaphore(%arg20 : memref<!tpu.dma_semaphore, #tpu.memory_space<semaphore_mem>>)
    %dma_start3A_206 = arith.constant 3 : i32
    %dma_start3A_207 = arith.constant 0 : i32
    %dma_start3A_208 = tpu.memref_slice %arg15[%dma_start3A_206, %dma_start3A_207] : memref<4x128xi32, #tpu.memory_space<vmem>> -> memref<1x128xi32, #tpu.memory_space<vmem>>
    %dma_start3A_209 = tpu.memref_squeeze %dma_start3A_208 : memref<1x128xi32, #tpu.memory_space<vmem>> -> memref<128xi32, #tpu.memory_space<vmem>>
    %dma_start3A_210 = arith.constant 0 : i32
    %dma_start3A_211 = arith.constant 0 : i32
    %dma_start3A_212 = tpu.memref_slice %arg6[%dma_start3A_210, %dma_start3A_211] : memref<15625x128xf32, #tpu.memory_space<hbm>> -> memref<15625x128xf32, #tpu.memory_space<hbm>>
    tpu.enqueue_indirect_dma source(%dma_start3A_212 : memref<15625x128xf32, #tpu.memory_space<hbm>>) target(%arg19 : memref<128x128xf32, #tpu.memory_space<vmem>>) offsets(%dma_start3A_209 : memref<128xi32, #tpu.memory_space<vmem>>) semaphore(%arg20 : memref<!tpu.dma_semaphore, #tpu.memory_space<semaphore_mem>>)
    %dma_wait3A_213 = arith.constant 3 : i32
    %dma_wait3A_214 = arith.constant 0 : i32
    %dma_wait3A_215 = tpu.memref_slice %arg12[%dma_wait3A_213, %dma_wait3A_214] : memref<4x128xi32, #tpu.memory_space<vmem>> -> memref<1x128xi32, #tpu.memory_space<vmem>>
    %dma_wait3A_216 = tpu.memref_squeeze %dma_wait3A_215 : memref<1x128xi32, #tpu.memory_space<vmem>> -> memref<128xi32, #tpu.memory_space<vmem>>
    %dma_wait3A_217 = arith.constant 0 : i32
    %dma_wait3A_218 = arith.constant 0 : i32
    %dma_wait3A_219 = tpu.memref_slice %arg7[%dma_wait3A_217, %dma_wait3A_218] : memref<500000x128xf32, #tpu.memory_space<hbm>> -> memref<500000x128xf32, #tpu.memory_space<hbm>>
    tpu.wait_indirect_dma semaphore(%arg20 : memref<!tpu.dma_semaphore, #tpu.memory_space<semaphore_mem>>) src(%dma_wait3A_219 : memref<500000x128xf32, #tpu.memory_space<hbm>>) dst(%arg16 : memref<128x128xf32, #tpu.memory_space<vmem>>)
    %dma_wait3A_220 = arith.constant 3 : i32
    %dma_wait3A_221 = arith.constant 0 : i32
    %dma_wait3A_222 = tpu.memref_slice %arg13[%dma_wait3A_220, %dma_wait3A_221] : memref<4x128xi32, #tpu.memory_space<vmem>> -> memref<1x128xi32, #tpu.memory_space<vmem>>
    %dma_wait3A_223 = tpu.memref_squeeze %dma_wait3A_222 : memref<1x128xi32, #tpu.memory_space<vmem>> -> memref<128xi32, #tpu.memory_space<vmem>>
    %dma_wait3A_224 = arith.constant 0 : i32
    %dma_wait3A_225 = arith.constant 0 : i32
    %dma_wait3A_226 = tpu.memref_slice %arg7[%dma_wait3A_224, %dma_wait3A_225] : memref<500000x128xf32, #tpu.memory_space<hbm>> -> memref<500000x128xf32, #tpu.memory_space<hbm>>
    tpu.wait_indirect_dma semaphore(%arg20 : memref<!tpu.dma_semaphore, #tpu.memory_space<semaphore_mem>>) src(%dma_wait3A_226 : memref<500000x128xf32, #tpu.memory_space<hbm>>) dst(%arg17 : memref<128x128xf32, #tpu.memory_space<vmem>>)
    %dma_wait3A_227 = arith.constant 3 : i32
    %dma_wait3A_228 = arith.constant 0 : i32
    %dma_wait3A_229 = tpu.memref_slice %arg14[%dma_wait3A_227, %dma_wait3A_228] : memref<4x128xi32, #tpu.memory_space<vmem>> -> memref<1x128xi32, #tpu.memory_space<vmem>>
    %dma_wait3A_230 = tpu.memref_squeeze %dma_wait3A_229 : memref<1x128xi32, #tpu.memory_space<vmem>> -> memref<128xi32, #tpu.memory_space<vmem>>
    %dma_wait3A_231 = arith.constant 0 : i32
    %dma_wait3A_232 = arith.constant 0 : i32
    %dma_wait3A_233 = tpu.memref_slice %arg6[%dma_wait3A_231, %dma_wait3A_232] : memref<15625x128xf32, #tpu.memory_space<hbm>> -> memref<15625x128xf32, #tpu.memory_space<hbm>>
    tpu.wait_indirect_dma semaphore(%arg20 : memref<!tpu.dma_semaphore, #tpu.memory_space<semaphore_mem>>) src(%dma_wait3A_233 : memref<15625x128xf32, #tpu.memory_space<hbm>>) dst(%arg18 : memref<128x128xf32, #tpu.memory_space<vmem>>)
    %dma_wait3A_234 = arith.constant 3 : i32
    %dma_wait3A_235 = arith.constant 0 : i32
    %dma_wait3A_236 = tpu.memref_slice %arg15[%dma_wait3A_234, %dma_wait3A_235] : memref<4x128xi32, #tpu.memory_space<vmem>> -> memref<1x128xi32, #tpu.memory_space<vmem>>
    %dma_wait3A_237 = tpu.memref_squeeze %dma_wait3A_236 : memref<1x128xi32, #tpu.memory_space<vmem>> -> memref<128xi32, #tpu.memory_space<vmem>>
    %dma_wait3A_238 = arith.constant 0 : i32
    %dma_wait3A_239 = arith.constant 0 : i32
    %dma_wait3A_240 = tpu.memref_slice %arg6[%dma_wait3A_238, %dma_wait3A_239] : memref<15625x128xf32, #tpu.memory_space<hbm>> -> memref<15625x128xf32, #tpu.memory_space<hbm>>
    tpu.wait_indirect_dma semaphore(%arg20 : memref<!tpu.dma_semaphore, #tpu.memory_space<semaphore_mem>>) src(%dma_wait3A_240 : memref<15625x128xf32, #tpu.memory_space<hbm>>) dst(%arg19 : memref<128x128xf32, #tpu.memory_space<vmem>>)
    "tpu.region"() ({
      %run_scoped3A = tpu.sem_alloc : memref<!tpu.dma_semaphore, #tpu.memory_space<semaphore_mem>>
      %dma_start3A_241 = arith.constant 0 : i32
      %dma_start3A_242 = tpu.memref_slice %arg8[%add3A_184, %dma_start3A_241] : memref<16384x128xf32, #tpu.memory_space<hbm>> -> memref<128x128xf32, #tpu.memory_space<hbm>>
      %dma_start3A_243 = arith.constant 0 : i32
      %dma_start3A_244 = tpu.memref_slice %arg8[%add3A_184, %dma_start3A_243] : memref<16384x128xf32, #tpu.memory_space<hbm>> -> memref<128x128xf32, #tpu.memory_space<hbm>>
      tpu.enqueue_dma source(%arg16 : memref<128x128xf32, #tpu.memory_space<vmem>>) target(%dma_start3A_244 : memref<128x128xf32, #tpu.memory_space<hbm>>) target_semaphore(%run_scoped3A : memref<!tpu.dma_semaphore, #tpu.memory_space<semaphore_mem>>)
      %dma_wait3A_245 = arith.constant 0 : i32
      %dma_wait3A_246 = tpu.memref_slice %arg8[%add3A_184, %dma_wait3A_245] : memref<16384x128xf32, #tpu.memory_space<hbm>> -> memref<128x128xf32, #tpu.memory_space<hbm>>
      %dma_wait3A_247 = arith.constant 0 : i32
      %dma_wait3A_248 = tpu.memref_slice %arg8[%add3A_184, %dma_wait3A_247] : memref<16384x128xf32, #tpu.memory_space<hbm>> -> memref<128x128xf32, #tpu.memory_space<hbm>>
      tpu.wait_dma2 semaphore(%run_scoped3A : memref<!tpu.dma_semaphore, #tpu.memory_space<semaphore_mem>>) src(%arg16 : memref<128x128xf32, #tpu.memory_space<vmem>>) dst(%dma_wait3A_248 : memref<128x128xf32, #tpu.memory_space<hbm>>)
      tpu.yield
    }) : () -> ()
    "tpu.region"() ({
      %run_scoped3A = tpu.sem_alloc : memref<!tpu.dma_semaphore, #tpu.memory_space<semaphore_mem>>
      %dma_start3A_241 = arith.constant 0 : i32
      %dma_start3A_242 = tpu.memref_slice %arg9[%add3A_184, %dma_start3A_241] : memref<16384x128xf32, #tpu.memory_space<hbm>> -> memref<128x128xf32, #tpu.memory_space<hbm>>
      %dma_start3A_243 = arith.constant 0 : i32
      %dma_start3A_244 = tpu.memref_slice %arg9[%add3A_184, %dma_start3A_243] : memref<16384x128xf32, #tpu.memory_space<hbm>> -> memref<128x128xf32, #tpu.memory_space<hbm>>
      tpu.enqueue_dma source(%arg17 : memref<128x128xf32, #tpu.memory_space<vmem>>) target(%dma_start3A_244 : memref<128x128xf32, #tpu.memory_space<hbm>>) target_semaphore(%run_scoped3A : memref<!tpu.dma_semaphore, #tpu.memory_space<semaphore_mem>>)
      %dma_wait3A_245 = arith.constant 0 : i32
      %dma_wait3A_246 = tpu.memref_slice %arg9[%add3A_184, %dma_wait3A_245] : memref<16384x128xf32, #tpu.memory_space<hbm>> -> memref<128x128xf32, #tpu.memory_space<hbm>>
      %dma_wait3A_247 = arith.constant 0 : i32
      %dma_wait3A_248 = tpu.memref_slice %arg9[%add3A_184, %dma_wait3A_247] : memref<16384x128xf32, #tpu.memory_space<hbm>> -> memref<128x128xf32, #tpu.memory_space<hbm>>
      tpu.wait_dma2 semaphore(%run_scoped3A : memref<!tpu.dma_semaphore, #tpu.memory_space<semaphore_mem>>) src(%arg17 : memref<128x128xf32, #tpu.memory_space<vmem>>) dst(%dma_wait3A_248 : memref<128x128xf32, #tpu.memory_space<hbm>>)
      tpu.yield
    }) : () -> ()
    "tpu.region"() ({
      %run_scoped3A = tpu.sem_alloc : memref<!tpu.dma_semaphore, #tpu.memory_space<semaphore_mem>>
      %dma_start3A_241 = arith.constant 0 : i32
      %dma_start3A_242 = tpu.memref_slice %arg10[%add3A_184, %dma_start3A_241] : memref<16384x128xf32, #tpu.memory_space<hbm>> -> memref<128x128xf32, #tpu.memory_space<hbm>>
      %dma_start3A_243 = arith.constant 0 : i32
      %dma_start3A_244 = tpu.memref_slice %arg10[%add3A_184, %dma_start3A_243] : memref<16384x128xf32, #tpu.memory_space<hbm>> -> memref<128x128xf32, #tpu.memory_space<hbm>>
      tpu.enqueue_dma source(%arg18 : memref<128x128xf32, #tpu.memory_space<vmem>>) target(%dma_start3A_244 : memref<128x128xf32, #tpu.memory_space<hbm>>) target_semaphore(%run_scoped3A : memref<!tpu.dma_semaphore, #tpu.memory_space<semaphore_mem>>)
      %dma_wait3A_245 = arith.constant 0 : i32
      %dma_wait3A_246 = tpu.memref_slice %arg10[%add3A_184, %dma_wait3A_245] : memref<16384x128xf32, #tpu.memory_space<hbm>> -> memref<128x128xf32, #tpu.memory_space<hbm>>
      %dma_wait3A_247 = arith.constant 0 : i32
      %dma_wait3A_248 = tpu.memref_slice %arg10[%add3A_184, %dma_wait3A_247] : memref<16384x128xf32, #tpu.memory_space<hbm>> -> memref<128x128xf32, #tpu.memory_space<hbm>>
      tpu.wait_dma2 semaphore(%run_scoped3A : memref<!tpu.dma_semaphore, #tpu.memory_space<semaphore_mem>>) src(%arg18 : memref<128x128xf32, #tpu.memory_space<vmem>>) dst(%dma_wait3A_248 : memref<128x128xf32, #tpu.memory_space<hbm>>)
      tpu.yield
    }) : () -> ()
    "tpu.region"() ({
      %run_scoped3A = tpu.sem_alloc : memref<!tpu.dma_semaphore, #tpu.memory_space<semaphore_mem>>
      %dma_start3A_241 = arith.constant 0 : i32
      %dma_start3A_242 = tpu.memref_slice %arg11[%add3A_184, %dma_start3A_241] : memref<16384x128xf32, #tpu.memory_space<hbm>> -> memref<128x128xf32, #tpu.memory_space<hbm>>
      %dma_start3A_243 = arith.constant 0 : i32
      %dma_start3A_244 = tpu.memref_slice %arg11[%add3A_184, %dma_start3A_243] : memref<16384x128xf32, #tpu.memory_space<hbm>> -> memref<128x128xf32, #tpu.memory_space<hbm>>
      tpu.enqueue_dma source(%arg19 : memref<128x128xf32, #tpu.memory_space<vmem>>) target(%dma_start3A_244 : memref<128x128xf32, #tpu.memory_space<hbm>>) target_semaphore(%run_scoped3A : memref<!tpu.dma_semaphore, #tpu.memory_space<semaphore_mem>>)
      %dma_wait3A_245 = arith.constant 0 : i32
      %dma_wait3A_246 = tpu.memref_slice %arg11[%add3A_184, %dma_wait3A_245] : memref<16384x128xf32, #tpu.memory_space<hbm>> -> memref<128x128xf32, #tpu.memory_space<hbm>>
      %dma_wait3A_247 = arith.constant 0 : i32
      %dma_wait3A_248 = tpu.memref_slice %arg11[%add3A_184, %dma_wait3A_247] : memref<16384x128xf32, #tpu.memory_space<hbm>> -> memref<128x128xf32, #tpu.memory_space<hbm>>
      tpu.wait_dma2 semaphore(%run_scoped3A : memref<!tpu.dma_semaphore, #tpu.memory_space<semaphore_mem>>) src(%arg19 : memref<128x128xf32, #tpu.memory_space<vmem>>) dst(%dma_wait3A_248 : memref<128x128xf32, #tpu.memory_space<hbm>>)
      tpu.yield
    }) : () -> ()
    return
  }
}

module attributes {stable_mosaic.version = 14 : i64} {
  func.func @_ent_relayout_body(%arg0: i32, %arg1: memref<1000x64xf32, #tpu.memory_space<vmem>>, %arg2: memref<1000x64xf32, #tpu.memory_space<vmem>>, %arg3: memref<1000x128xf32, #tpu.memory_space<vmem>>) attributes {dimension_semantics = [#tpu.dimension_semantics<arbitrary>], iteration_bounds = array<i64: 500>, scalar_prefetch = 0 : i64, scratch_operands = 0 : i64, tpu.core_type = #tpu.core_type<tc>, window_params = [{transform_indices = @transform_0, window_bounds = array<i64: 1000, 64>}, {transform_indices = @transform_1, window_bounds = array<i64: 1000, 64>}, {transform_indices = @transform_2, window_bounds = array<i64: 1000, 128>}]} {
    %get3A = arith.constant 0 : index
    %get3A_0 = arith.constant 0 : index
    %get3A_1 = vector.load %arg1[%get3A, %get3A_0] : memref<1000x64xf32, #tpu.memory_space<vmem>>, vector<1000x64xf32>
    %swap3A = arith.constant 0 : index
    %swap3A_2 = arith.constant 0 : index
    %swap3A_3 = vector.load %arg3[%swap3A, %swap3A_2] : memref<1000x128xf32, #tpu.memory_space<vmem>>, vector<1000x64xf32>
    tpu.vector_store %arg3[%swap3A, %swap3A_2], %get3A_1 {strides = array<i32>} : memref<1000x128xf32, #tpu.memory_space<vmem>>, vector<1000x64xf32>,
    %get3A_4 = arith.constant 0 : index
    %get3A_5 = arith.constant 0 : index
    %get3A_6 = vector.load %arg2[%get3A_4, %get3A_5] : memref<1000x64xf32, #tpu.memory_space<vmem>>, vector<1000x64xf32>
    %swap3A_7 = arith.constant 0 : index
    %swap3A_8 = arith.constant 64 : index
    %swap3A_9 = vector.load %arg3[%swap3A_7, %swap3A_8] : memref<1000x128xf32, #tpu.memory_space<vmem>>, vector<1000x64xf32>
    tpu.vector_store %arg3[%swap3A_7, %swap3A_8], %get3A_6 {strides = array<i32>} : memref<1000x128xf32, #tpu.memory_space<vmem>>, vector<1000x64xf32>,
    return
  }
  func.func @transform_0(%arg0: i32) -> (i32, i32) {
    %c0_i32 = arith.constant 0 : i32
    %c0_i32_0 = arith.constant 0 : i32
    return %arg0, %c0_i32 : i32, i32
  }
  func.func @transform_1(%arg0: i32) -> (i32, i32) {
    %add3A = arith.constant 500 : i32
    %add3A_0 = arith.addi %arg0, %add3A : i32
    %c0_i32 = arith.constant 0 : i32
    %c0_i32_1 = arith.constant 0 : i32
    return %add3A_0, %c0_i32 : i32, i32
  }
  func.func @transform_2(%arg0: i32) -> (i32, i32) {
    %c0_i32 = arith.constant 0 : i32
    %c0_i32_0 = arith.constant 0 : i32
    return %arg0, %c0_i32 : i32, i32
  }
}

module attributes {stable_mosaic.version = 14 : i64} {
  func.func @_tc_body(%arg0: i32, %arg1: memref<1024x2xi32, #tpu.memory_space<vmem>>, %arg2: memref<1024x128xf32, #tpu.memory_space<vmem>>, %arg3: memref<1024x128xf32, #tpu.memory_space<vmem>>, %arg4: memref<1024x128xf32, #tpu.memory_space<vmem>>, %arg5: memref<1024x128xf32, #tpu.memory_space<vmem>>, %arg6: memref<1024x2xf32, #tpu.memory_space<vmem>>, %arg7: memref<1024x64xf32, #tpu.memory_space<vmem>>, %arg8: memref<1x1xf32, #tpu.memory_space<vmem>>, %arg9: memref<1024x1xf32, #tpu.memory_space<vmem>>, %arg10: memref<1x1xf32, #tpu.memory_space<vmem>>, %arg11: memref<1024x1xf32, #tpu.memory_space<vmem>>, %arg12: memref<1024x1xf32, #tpu.memory_space<vmem>>) attributes {dimension_semantics = [#tpu.dimension_semantics<arbitrary>], iteration_bounds = array<i64: 16>, scalar_prefetch = 0 : i64, scratch_operands = 0 : i64, tpu.core_type = #tpu.core_type<tc>, window_params = [{transform_indices = @transform_0, window_bounds = array<i64: 1024, 2>}, {transform_indices = @transform_1, window_bounds = array<i64: 1024, 128>}, {transform_indices = @transform_2, window_bounds = array<i64: 1024, 128>}, {transform_indices = @transform_3, window_bounds = array<i64: 1024, 128>}, {transform_indices = @transform_4, window_bounds = array<i64: 1024, 128>}, {transform_indices = @transform_5, window_bounds = array<i64: 1024, 2>}, {transform_indices = @transform_6, window_bounds = array<i64: 1024, 64>}, {pipeline_mode = #tpu.pipeline_mode<synchronous>, transform_indices = @transform_7, window_bounds = array<i64: 1, 1>}, {transform_indices = @transform_8, window_bounds = array<i64: 1024, 1>}, {pipeline_mode = #tpu.pipeline_mode<synchronous>, transform_indices = @transform_9, window_bounds = array<i64: 1, 1>}, {transform_indices = @transform_10, window_bounds = array<i64: 1024, 1>}, {transform_indices = @transform_11, window_bounds = array<i64: 1024, 1>}]} {
    %get3A = arith.constant 0 : index
    %get3A_0 = arith.constant 0 : index
    %get3A_1 = vector.load %arg1[%get3A, %get3A_0] : memref<1024x2xi32, #tpu.memory_space<vmem>>, vector<1024x2xi32>
    %get3A_2 = arith.constant 0 : index
    %get3A_3 = arith.constant 0 : index
    %get3A_4 = vector.load %arg2[%get3A_2, %get3A_3] : memref<1024x128xf32, #tpu.memory_space<vmem>>, vector<1024x128xf32>
    %get3A_5 = arith.constant 0 : index
    %get3A_6 = arith.constant 0 : index
    %get3A_7 = vector.load %arg3[%get3A_5, %get3A_6] : memref<1024x128xf32, #tpu.memory_space<vmem>>, vector<1024x128xf32>
    %get3A_8 = arith.constant 0 : index
    %get3A_9 = arith.constant 0 : index
    %get3A_10 = vector.load %arg4[%get3A_8, %get3A_9] : memref<1024x128xf32, #tpu.memory_space<vmem>>, vector<1024x128xf32>
    %get3A_11 = arith.constant 0 : index
    %get3A_12 = arith.constant 0 : index
    %get3A_13 = vector.load %arg5[%get3A_11, %get3A_12] : memref<1024x128xf32, #tpu.memory_space<vmem>>, vector<1024x128xf32>
    %get3A_14 = arith.constant 0 : index
    %get3A_15 = arith.constant 0 : index
    %get3A_16 = vector.load %arg6[%get3A_14, %get3A_15] : memref<1024x2xf32, #tpu.memory_space<vmem>>, vector<1024x2xf32>
    %get3A_17 = arith.constant 0 : index
    %get3A_18 = arith.constant 0 : index
    %get3A_19 = vector.load %arg7[%get3A_17, %get3A_18] : memref<1024x64xf32, #tpu.memory_space<vmem>>, vector<1024x64xf32>
    %slice3A = vector.extract_strided_slice %get3A_1 {offsets = [0, 0], sizes = [1024, 1], strides = [1, 1]} : vector<1024x2xi32> to vector<1024x1xi32>
    %ge3A = arith.constant 500000 : i32
    %ge3A_20 = vector.broadcast %ge3A : i32 to vector<1024x1xi32>
    %ge3A_21 = arith.cmpi sge, %slice3A, %ge3A_20 : vector<1024x1xi32>
    %slice3A_22 = vector.extract_strided_slice %get3A_1 {offsets = [0, 1], sizes = [1024, 1], strides = [1, 1]} : vector<1024x2xi32> to vector<1024x1xi32>
    %ge3A_23 = arith.constant 500000 : i32
    %ge3A_24 = vector.broadcast %ge3A_23 : i32 to vector<1024x1xi32>
    %ge3A_25 = arith.cmpi sge, %slice3A_22, %ge3A_24 : vector<1024x1xi32>
    %slice3A_26 = vector.extract_strided_slice %get3A_4 {offsets = [0, 64], sizes = [1024, 32], strides = [1, 1]} : vector<1024x128xf32> to vector<1024x32xf32>
    %slice3A_27 = vector.extract_strided_slice %get3A_4 {offsets = [0, 0], sizes = [1024, 32], strides = [1, 1]} : vector<1024x128xf32> to vector<1024x32xf32>
    %broadcast_in_dim3A = vector.shape_cast %ge3A_21 : vector<1024x1xi1> to vector<1024x1xi1>
    %broadcast_in_dim3A_28 = vector.broadcast %broadcast_in_dim3A : vector<1024x1xi1> to vector<1024x32xi1>
    %select_n3A = arith.select %broadcast_in_dim3A_28, %slice3A_26, %slice3A_27 : vector<1024x32xi1>, vector<1024x32xf32>
    %slice3A_29 = vector.extract_strided_slice %get3A_4 {offsets = [0, 96], sizes = [1024, 32], strides = [1, 1]} : vector<1024x128xf32> to vector<1024x32xf32>
    %slice3A_30 = vector.extract_strided_slice %get3A_4 {offsets = [0, 32], sizes = [1024, 32], strides = [1, 1]} : vector<1024x128xf32> to vector<1024x32xf32>
    %broadcast_in_dim3A_31 = vector.shape_cast %ge3A_21 : vector<1024x1xi1> to vector<1024x1xi1>
    %broadcast_in_dim3A_32 = vector.broadcast %broadcast_in_dim3A_31 : vector<1024x1xi1> to vector<1024x32xi1>
    %select_n3A_33 = arith.select %broadcast_in_dim3A_32, %slice3A_29, %slice3A_30 : vector<1024x32xi1>, vector<1024x32xf32>
    %slice3A_34 = vector.extract_strided_slice %get3A_7 {offsets = [0, 64], sizes = [1024, 32], strides = [1, 1]} : vector<1024x128xf32> to vector<1024x32xf32>
    %slice3A_35 = vector.extract_strided_slice %get3A_7 {offsets = [0, 0], sizes = [1024, 32], strides = [1, 1]} : vector<1024x128xf32> to vector<1024x32xf32>
    %broadcast_in_dim3A_36 = vector.shape_cast %ge3A_25 : vector<1024x1xi1> to vector<1024x1xi1>
    %broadcast_in_dim3A_37 = vector.broadcast %broadcast_in_dim3A_36 : vector<1024x1xi1> to vector<1024x32xi1>
    %select_n3A_38 = arith.select %broadcast_in_dim3A_37, %slice3A_34, %slice3A_35 : vector<1024x32xi1>, vector<1024x32xf32>
    %slice3A_39 = vector.extract_strided_slice %get3A_7 {offsets = [0, 96], sizes = [1024, 32], strides = [1, 1]} : vector<1024x128xf32> to vector<1024x32xf32>
    %slice3A_40 = vector.extract_strided_slice %get3A_7 {offsets = [0, 32], sizes = [1024, 32], strides = [1, 1]} : vector<1024x128xf32> to vector<1024x32xf32>
    %broadcast_in_dim3A_41 = vector.shape_cast %ge3A_25 : vector<1024x1xi1> to vector<1024x1xi1>
    %broadcast_in_dim3A_42 = vector.broadcast %broadcast_in_dim3A_41 : vector<1024x1xi1> to vector<1024x32xi1>
    %select_n3A_43 = arith.select %broadcast_in_dim3A_42, %slice3A_39, %slice3A_40 : vector<1024x32xi1>, vector<1024x32xf32>
    %iota3A = tpu.iota {dimensions = array<i32: 1>} : vector<1024x128xi32>
    %broadcast_in_dim3A_44 = arith.constant 0.000000e+00 : f32
    %broadcast_in_dim3A_45 = vector.broadcast %broadcast_in_dim3A_44 : f32 to vector<1024x128xf32>
    %slice3A_46 = vector.extract_strided_slice %get3A_1 {offsets = [0, 0], sizes = [1024, 1], strides = [1, 1]} : vector<1024x2xi32> to vector<1024x1xi32>
    %and3A = arith.constant 63 : i32
    %and3A_47 = vector.broadcast %and3A : i32 to vector<1024x1xi32>
    %and3A_48 = arith.andi %slice3A_46, %and3A_47 : vector<1024x1xi32>
    %mul3A = arith.constant 2 : i32
    %mul3A_49 = vector.broadcast %mul3A : i32 to vector<1024x1xi32>
    %mul3A_50 = arith.muli %and3A_48, %mul3A_49 : vector<1024x1xi32>
    %slice3A_51 = vector.extract_strided_slice %get3A_1 {offsets = [0, 1], sizes = [1024, 1], strides = [1, 1]} : vector<1024x2xi32> to vector<1024x1xi32>
    %and3A_52 = arith.constant 63 : i32
    %and3A_53 = vector.broadcast %and3A_52 : i32 to vector<1024x1xi32>
    %and3A_54 = arith.andi %slice3A_51, %and3A_53 : vector<1024x1xi32>
    %mul3A_55 = arith.constant 2 : i32
    %mul3A_56 = vector.broadcast %mul3A_55 : i32 to vector<1024x1xi32>
    %mul3A_57 = arith.muli %and3A_54, %mul3A_56 : vector<1024x1xi32>
    %eq3A = vector.broadcast %mul3A_50 : vector<1024x1xi32> to vector<1024x128xi32>
    %eq3A_58 = arith.cmpi eq, %iota3A, %eq3A : vector<1024x128xi32>
    %select_n3A_59 = arith.select %eq3A_58, %get3A_10, %broadcast_in_dim3A_45 : vector<1024x128xi1>, vector<1024x128xf32>
    %reduce_sum3A = arith.constant dense<0.000000e+00> : vector<1024xf32>
    %reduce_sum3A_60 = vector.multi_reduction <add>, %select_n3A_59, %reduce_sum3A [1] : vector<1024x128xf32> to vector<1024xf32>
    %broadcast_in_dim3A_61 = vector.shape_cast %reduce_sum3A_60 : vector<1024xf32> to vector<1024x1xf32>
    %add3A = arith.constant 1 : i32
    %add3A_62 = vector.broadcast %add3A : i32 to vector<1024x1xi32>
    %add3A_63 = arith.addi %mul3A_50, %add3A_62 : vector<1024x1xi32>
    %eq3A_64 = vector.broadcast %add3A_63 : vector<1024x1xi32> to vector<1024x128xi32>
    %eq3A_65 = arith.cmpi eq, %iota3A, %eq3A_64 : vector<1024x128xi32>
    %select_n3A_66 = arith.select %eq3A_65, %get3A_10, %broadcast_in_dim3A_45 : vector<1024x128xi1>, vector<1024x128xf32>
    %reduce_sum3A_67 = arith.constant dense<0.000000e+00> : vector<1024xf32>
    %reduce_sum3A_68 = vector.multi_reduction <add>, %select_n3A_66, %reduce_sum3A_67 [1] : vector<1024x128xf32> to vector<1024xf32>
    %broadcast_in_dim3A_69 = vector.shape_cast %reduce_sum3A_68 : vector<1024xf32> to vector<1024x1xf32>
    %eq3A_70 = vector.broadcast %mul3A_57 : vector<1024x1xi32> to vector<1024x128xi32>
    %eq3A_71 = arith.cmpi eq, %iota3A, %eq3A_70 : vector<1024x128xi32>
    %select_n3A_72 = arith.select %eq3A_71, %get3A_13, %broadcast_in_dim3A_45 : vector<1024x128xi1>, vector<1024x128xf32>
    %reduce_sum3A_73 = arith.constant dense<0.000000e+00> : vector<1024xf32>
    %reduce_sum3A_74 = vector.multi_reduction <add>, %select_n3A_72, %reduce_sum3A_73 [1] : vector<1024x128xf32> to vector<1024xf32>
    %broadcast_in_dim3A_75 = vector.shape_cast %reduce_sum3A_74 : vector<1024xf32> to vector<1024x1xf32>
    %add3A_76 = arith.constant 1 : i32
    %add3A_77 = vector.broadcast %add3A_76 : i32 to vector<1024x1xi32>
    %add3A_78 = arith.addi %mul3A_57, %add3A_77 : vector<1024x1xi32>
    %eq3A_79 = vector.broadcast %add3A_78 : vector<1024x1xi32> to vector<1024x128xi32>
    %eq3A_80 = arith.cmpi eq, %iota3A, %eq3A_79 : vector<1024x128xi32>
    %select_n3A_81 = arith.select %eq3A_80, %get3A_13, %broadcast_in_dim3A_45 : vector<1024x128xi1>, vector<1024x128xf32>
    %reduce_sum3A_82 = arith.constant dense<0.000000e+00> : vector<1024xf32>
    %reduce_sum3A_83 = vector.multi_reduction <add>, %select_n3A_81, %reduce_sum3A_82 [1] : vector<1024x128xf32> to vector<1024xf32>
    %broadcast_in_dim3A_84 = vector.shape_cast %reduce_sum3A_83 : vector<1024xf32> to vector<1024x1xf32>
    %custom_jvp_call3A = arith.constant 0.000000e+00 : f32
    %max3A = vector.broadcast %custom_jvp_call3A : f32 to vector<1024x1xf32>
    %max3A_85 = arith.maximumf %broadcast_in_dim3A_69, %max3A : vector<1024x1xf32>
    %sub3A = vector.broadcast %custom_jvp_call3A : f32 to vector<1024x1xf32>
    %sub3A_86 = arith.subf %broadcast_in_dim3A_69, %sub3A : vector<1024x1xf32>
    %ne3A = arith.cmpf one, %sub3A_86, %sub3A_86 : vector<1024x1xf32>
    %add3A_87 = vector.broadcast %custom_jvp_call3A : f32 to vector<1024x1xf32>
    %add3A_88 = arith.addf %broadcast_in_dim3A_69, %add3A_87 : vector<1024x1xf32>
    %abs3A = math.absf %sub3A_86 : vector<1024x1xf32>
    %neg3A = arith.constant 0.000000e+00 : f32
    %neg3A_89 = vector.broadcast %neg3A : f32 to vector<1024x1xf32>
    %neg3A_90 = arith.subf %neg3A_89, %abs3A : vector<1024x1xf32>
    %exp3A = math.exp %neg3A_90 : vector<1024x1xf32>
    %log1p3A = math.log1p %exp3A : vector<1024x1xf32>
    %add3A_91 = arith.addf %max3A_85, %log1p3A : vector<1024x1xf32>
    %select_n3A_92 = arith.select %ne3A, %add3A_88, %add3A_91 : vector<1024x1xi1>, vector<1024x1xf32>
    %custom_jvp_call3A_93 = arith.constant 0.000000e+00 : f32
    %max3A_94 = vector.broadcast %custom_jvp_call3A_93 : f32 to vector<1024x1xf32>
    %max3A_95 = arith.maximumf %broadcast_in_dim3A_84, %max3A_94 : vector<1024x1xf32>
    %sub3A_96 = vector.broadcast %custom_jvp_call3A_93 : f32 to vector<1024x1xf32>
    %sub3A_97 = arith.subf %broadcast_in_dim3A_84, %sub3A_96 : vector<1024x1xf32>
    %ne3A_98 = arith.cmpf one, %sub3A_97, %sub3A_97 : vector<1024x1xf32>
    %add3A_99 = vector.broadcast %custom_jvp_call3A_93 : f32 to vector<1024x1xf32>
    %add3A_100 = arith.addf %broadcast_in_dim3A_84, %add3A_99 : vector<1024x1xf32>
    %abs3A_101 = math.absf %sub3A_97 : vector<1024x1xf32>
    %neg3A_102 = arith.constant 0.000000e+00 : f32
    %neg3A_103 = vector.broadcast %neg3A_102 : f32 to vector<1024x1xf32>
    %neg3A_104 = arith.subf %neg3A_103, %abs3A_101 : vector<1024x1xf32>
    %exp3A_105 = math.exp %neg3A_104 : vector<1024x1xf32>
    %log1p3A_106 = math.log1p %exp3A_105 : vector<1024x1xf32>
    %add3A_107 = arith.addf %max3A_95, %log1p3A_106 : vector<1024x1xf32>
    %select_n3A_108 = arith.select %ne3A_98, %add3A_100, %add3A_107 : vector<1024x1xi1>, vector<1024x1xf32>
    %add3A_109 = arith.addf %broadcast_in_dim3A_61, %broadcast_in_dim3A_75 : vector<1024x1xf32>
    %slice3A_110 = vector.extract_strided_slice %get3A_16 {offsets = [0, 0], sizes = [1024, 1], strides = [1, 1]} : vector<1024x2xf32> to vector<1024x1xf32>
    %mul3A_111 = arith.mulf %select_n3A_92, %slice3A_110 : vector<1024x1xf32>
    %add3A_112 = arith.addf %add3A_109, %mul3A_111 : vector<1024x1xf32>
    %slice3A_113 = vector.extract_strided_slice %get3A_16 {offsets = [0, 1], sizes = [1024, 1], strides = [1, 1]} : vector<1024x2xf32> to vector<1024x1xf32>
    %mul3A_114 = arith.mulf %select_n3A_108, %slice3A_113 : vector<1024x1xf32>
    %add3A_115 = arith.addf %add3A_112, %mul3A_114 : vector<1024x1xf32>
    %custom_jvp_call3A_116 = arith.constant 0.000000e+00 : f32
    %max3A_117 = vector.broadcast %custom_jvp_call3A_116 : f32 to vector<1024x32xf32>
    %max3A_118 = arith.maximumf %select_n3A_33, %max3A_117 : vector<1024x32xf32>
    %sub3A_119 = vector.broadcast %custom_jvp_call3A_116 : f32 to vector<1024x32xf32>
    %sub3A_120 = arith.subf %select_n3A_33, %sub3A_119 : vector<1024x32xf32>
    %ne3A_121 = arith.cmpf one, %sub3A_120, %sub3A_120 : vector<1024x32xf32>
    %add3A_122 = vector.broadcast %custom_jvp_call3A_116 : f32 to vector<1024x32xf32>
    %add3A_123 = arith.addf %select_n3A_33, %add3A_122 : vector<1024x32xf32>
    %abs3A_124 = math.absf %sub3A_120 : vector<1024x32xf32>
    %neg3A_125 = arith.constant 0.000000e+00 : f32
    %neg3A_126 = vector.broadcast %neg3A_125 : f32 to vector<1024x32xf32>
    %neg3A_127 = arith.subf %neg3A_126, %abs3A_124 : vector<1024x32xf32>
    %exp3A_128 = math.exp %neg3A_127 : vector<1024x32xf32>
    %log1p3A_129 = math.log1p %exp3A_128 : vector<1024x32xf32>
    %add3A_130 = arith.addf %max3A_118, %log1p3A_129 : vector<1024x32xf32>
    %select_n3A_131 = arith.select %ne3A_121, %add3A_123, %add3A_130 : vector<1024x32xi1>, vector<1024x32xf32>
    %slice3A_132 = vector.extract_strided_slice %get3A_19 {offsets = [0, 0], sizes = [1024, 32], strides = [1, 1]} : vector<1024x64xf32> to vector<1024x32xf32>
    %mul3A_133 = arith.mulf %select_n3A_131, %slice3A_132 : vector<1024x32xf32>
    %add3A_134 = arith.addf %select_n3A, %mul3A_133 : vector<1024x32xf32>
    %custom_jvp_call3A_135 = arith.constant 0.000000e+00 : f32
    %max3A_136 = vector.broadcast %custom_jvp_call3A_135 : f32 to vector<1024x32xf32>
    %max3A_137 = arith.maximumf %select_n3A_43, %max3A_136 : vector<1024x32xf32>
    %sub3A_138 = vector.broadcast %custom_jvp_call3A_135 : f32 to vector<1024x32xf32>
    %sub3A_139 = arith.subf %select_n3A_43, %sub3A_138 : vector<1024x32xf32>
    %ne3A_140 = arith.cmpf one, %sub3A_139, %sub3A_139 : vector<1024x32xf32>
    %add3A_141 = vector.broadcast %custom_jvp_call3A_135 : f32 to vector<1024x32xf32>
    %add3A_142 = arith.addf %select_n3A_43, %add3A_141 : vector<1024x32xf32>
    %abs3A_143 = math.absf %sub3A_139 : vector<1024x32xf32>
    %neg3A_144 = arith.constant 0.000000e+00 : f32
    %neg3A_145 = vector.broadcast %neg3A_144 : f32 to vector<1024x32xf32>
    %neg3A_146 = arith.subf %neg3A_145, %abs3A_143 : vector<1024x32xf32>
    %exp3A_147 = math.exp %neg3A_146 : vector<1024x32xf32>
    %log1p3A_148 = math.log1p %exp3A_147 : vector<1024x32xf32>
    %add3A_149 = arith.addf %max3A_137, %log1p3A_148 : vector<1024x32xf32>
    %select_n3A_150 = arith.select %ne3A_140, %add3A_142, %add3A_149 : vector<1024x32xi1>, vector<1024x32xf32>
    %slice3A_151 = vector.extract_strided_slice %get3A_19 {offsets = [0, 32], sizes = [1024, 32], strides = [1, 1]} : vector<1024x64xf32> to vector<1024x32xf32>
    %mul3A_152 = arith.mulf %select_n3A_150, %slice3A_151 : vector<1024x32xf32>
    %add3A_153 = arith.addf %select_n3A_38, %mul3A_152 : vector<1024x32xf32>
    %mul3A_154 = arith.mulf %add3A_134, %add3A_153 : vector<1024x32xf32>
    %reduce_sum3A_155 = arith.constant dense<0.000000e+00> : vector<1024xf32>
    %reduce_sum3A_156 = vector.multi_reduction <add>, %mul3A_154, %reduce_sum3A_155 [1] : vector<1024x32xf32> to vector<1024xf32>
    %broadcast_in_dim3A_157 = vector.shape_cast %reduce_sum3A_156 : vector<1024xf32> to vector<1024x1xf32>
    %add3A_158 = arith.addf %add3A_115, %broadcast_in_dim3A_157 : vector<1024x1xf32>
    %swap3A = arith.constant 0 : index
    %swap3A_159 = arith.constant 0 : index
    %swap3A_160 = vector.load %arg9[%swap3A, %swap3A_159] : memref<1024x1xf32, #tpu.memory_space<vmem>>, vector<1024x1xf32>
    tpu.vector_store %arg9[%swap3A, %swap3A_159], %add3A_158 {strides = array<i32>} : memref<1024x1xf32, #tpu.memory_space<vmem>>, vector<1024x1xf32>,
    %log3A = math.log %select_n3A_92 : vector<1024x1xf32>
    %neg3A_161 = arith.constant 0.000000e+00 : f32
    %neg3A_162 = vector.broadcast %neg3A_161 : f32 to vector<1024x1xf32>
    %neg3A_163 = arith.subf %neg3A_162, %log3A : vector<1024x1xf32>
    %mul3A_164 = arith.mulf %select_n3A_92, %select_n3A_92 : vector<1024x1xf32>
    %mul3A_165 = arith.mulf %broadcast_in_dim3A_61, %broadcast_in_dim3A_61 : vector<1024x1xf32>
    %add3A_166 = arith.addf %mul3A_164, %mul3A_165 : vector<1024x1xf32>
    %mul3A_167 = arith.constant 5.000000e-01 : f32
    %mul3A_168 = vector.broadcast %mul3A_167 : f32 to vector<1024x1xf32>
    %mul3A_169 = arith.mulf %add3A_166, %mul3A_168 : vector<1024x1xf32>
    %add3A_170 = arith.addf %neg3A_163, %mul3A_169 : vector<1024x1xf32>
    %sub3A_171 = arith.constant 5.000000e-01 : f32
    %sub3A_172 = vector.broadcast %sub3A_171 : f32 to vector<1024x1xf32>
    %sub3A_173 = arith.subf %add3A_170, %sub3A_172 : vector<1024x1xf32>
    %swap3A_174 = arith.constant 0 : index
    %swap3A_175 = arith.constant 0 : index
    %swap3A_176 = vector.load %arg11[%swap3A_174, %swap3A_175] : memref<1024x1xf32, #tpu.memory_space<vmem>>, vector<1024x1xf32>
    tpu.vector_store %arg11[%swap3A_174, %swap3A_175], %sub3A_173 {strides = array<i32>} : memref<1024x1xf32, #tpu.memory_space<vmem>>, vector<1024x1xf32>,
    %log3A_177 = math.log %select_n3A_108 : vector<1024x1xf32>
    %neg3A_178 = arith.constant 0.000000e+00 : f32
    %neg3A_179 = vector.broadcast %neg3A_178 : f32 to vector<1024x1xf32>
    %neg3A_180 = arith.subf %neg3A_179, %log3A_177 : vector<1024x1xf32>
    %mul3A_181 = arith.mulf %select_n3A_108, %select_n3A_108 : vector<1024x1xf32>
    %mul3A_182 = arith.mulf %broadcast_in_dim3A_75, %broadcast_in_dim3A_75 : vector<1024x1xf32>
    %add3A_183 = arith.addf %mul3A_181, %mul3A_182 : vector<1024x1xf32>
    %mul3A_184 = arith.constant 5.000000e-01 : f32
    %mul3A_185 = vector.broadcast %mul3A_184 : f32 to vector<1024x1xf32>
    %mul3A_186 = arith.mulf %add3A_183, %mul3A_185 : vector<1024x1xf32>
    %add3A_187 = arith.addf %neg3A_180, %mul3A_186 : vector<1024x1xf32>
    %sub3A_188 = arith.constant 5.000000e-01 : f32
    %sub3A_189 = vector.broadcast %sub3A_188 : f32 to vector<1024x1xf32>
    %sub3A_190 = arith.subf %add3A_187, %sub3A_189 : vector<1024x1xf32>
    %swap3A_191 = arith.constant 0 : index
    %swap3A_192 = arith.constant 0 : index
    %swap3A_193 = vector.load %arg12[%swap3A_191, %swap3A_192] : memref<1024x1xf32, #tpu.memory_space<vmem>>, vector<1024x1xf32>
    tpu.vector_store %arg12[%swap3A_191, %swap3A_192], %sub3A_190 {strides = array<i32>} : memref<1024x1xf32, #tpu.memory_space<vmem>>, vector<1024x1xf32>,
    %eq3A_194 = arith.constant 0 : i32
    %eq3A_195 = arith.cmpi eq, %arg0, %eq3A_194 : i32
    %convert_element_type3A = arith.extui %eq3A_195 : i1 to i32
    %cond3A = arith.constant 0 : i32
    %cond3A_196 = arith.cmpi ne, %convert_element_type3A, %cond3A : i32
    scf.if %cond3A_196 {
      %get3A_197 = arith.constant 0 : index
      %get3A_198 = arith.constant 0 : index
      %get3A_199 = vector.load %arg8[%get3A_197, %get3A_198] : memref<1x1xf32, #tpu.memory_space<vmem>>, vector<1x1xf32>
      %custom_jvp_call3A_200 = arith.constant 0.000000e+00 : f32
      %max3A_201 = vector.broadcast %custom_jvp_call3A_200 : f32 to vector<1x1xf32>
      %max3A_202 = arith.maximumf %get3A_199, %max3A_201 : vector<1x1xf32>
      %sub3A_203 = vector.broadcast %custom_jvp_call3A_200 : f32 to vector<1x1xf32>
      %sub3A_204 = arith.subf %get3A_199, %sub3A_203 : vector<1x1xf32>
      %ne3A_205 = arith.cmpf one, %sub3A_204, %sub3A_204 : vector<1x1xf32>
      %add3A_206 = vector.broadcast %custom_jvp_call3A_200 : f32 to vector<1x1xf32>
      %add3A_207 = arith.addf %get3A_199, %add3A_206 : vector<1x1xf32>
      %abs3A_208 = math.absf %sub3A_204 : vector<1x1xf32>
      %neg3A_209 = arith.constant 0.000000e+00 : f32
      %neg3A_210 = vector.broadcast %neg3A_209 : f32 to vector<1x1xf32>
      %neg3A_211 = arith.subf %neg3A_210, %abs3A_208 : vector<1x1xf32>
      %exp3A_212 = math.exp %neg3A_211 : vector<1x1xf32>
      %log1p3A_213 = math.log1p %exp3A_212 : vector<1x1xf32>
      %add3A_214 = arith.addf %max3A_202, %log1p3A_213 : vector<1x1xf32>
      %select_n3A_215 = arith.select %ne3A_205, %add3A_207, %add3A_214 : vector<1x1xi1>, vector<1x1xf32>
      %div3A = arith.constant 1.000000e+00 : f32
      %div3A_216 = vector.broadcast %div3A : f32 to vector<1x1xf32>
      %div3A_217 = arith.divf %div3A_216, %select_n3A_215 : vector<1x1xf32>
      %sqrt3A = math.sqrt %div3A_217 : vector<1x1xf32>
      %swap3A_218 = arith.constant 0 : index
      %swap3A_219 = arith.constant 0 : index
      %swap3A_220 = vector.load %arg10[%swap3A_218, %swap3A_219] : memref<1x1xf32, #tpu.memory_space<vmem>>, vector<1x1xf32>
      tpu.vector_store %arg10[%swap3A_218, %swap3A_219], %sqrt3A {strides = array<i32>} : memref<1x1xf32, #tpu.memory_space<vmem>>, vector<1x1xf32>,
    } else {
    }
    return
  }
  func.func @transform_0(%arg0: i32) -> (i32, i32) {
    %c0_i32 = arith.constant 0 : i32
    %c0_i32_0 = arith.constant 0 : i32
    return %arg0, %c0_i32 : i32, i32
  }
  func.func @transform_1(%arg0: i32) -> (i32, i32) {
    %c0_i32 = arith.constant 0 : i32
    %c0_i32_0 = arith.constant 0 : i32
    return %arg0, %c0_i32 : i32, i32
  }
  func.func @transform_2(%arg0: i32) -> (i32, i32) {
    %c0_i32 = arith.constant 0 : i32
    %c0_i32_0 = arith.constant 0 : i32
    return %arg0, %c0_i32 : i32, i32
  }
  func.func @transform_3(%arg0: i32) -> (i32, i32) {
    %c0_i32 = arith.constant 0 : i32
    %c0_i32_0 = arith.constant 0 : i32
    return %arg0, %c0_i32 : i32, i32
  }
  func.func @transform_4(%arg0: i32) -> (i32, i32) {
    %c0_i32 = arith.constant 0 : i32
    %c0_i32_0 = arith.constant 0 : i32
    return %arg0, %c0_i32 : i32, i32
  }
  func.func @transform_5(%arg0: i32) -> (i32, i32) {
    %c0_i32 = arith.constant 0 : i32
    %c0_i32_0 = arith.constant 0 : i32
    return %arg0, %c0_i32 : i32, i32
  }
  func.func @transform_6(%arg0: i32) -> (i32, i32) {
    %c0_i32 = arith.constant 0 : i32
    %c0_i32_0 = arith.constant 0 : i32
    return %arg0, %c0_i32 : i32, i32
  }
  func.func @transform_7(%arg0: i32) -> (i32, i32) {
    %c0_i32 = arith.constant 0 : i32
    %c0_i32_0 = arith.constant 0 : i32
    %c0_i32_1 = arith.constant 0 : i32
    return %c0_i32, %c0_i32_0 : i32, i32
  }
  func.func @transform_8(%arg0: i32) -> (i32, i32) {
    %c0_i32 = arith.constant 0 : i32
    %c0_i32_0 = arith.constant 0 : i32
    return %arg0, %c0_i32 : i32, i32
  }
  func.func @transform_9(%arg0: i32) -> (i32, i32) {
    %c0_i32 = arith.constant 0 : i32
    %c0_i32_0 = arith.constant 0 : i32
    %c0_i32_1 = arith.constant 0 : i32
    return %c0_i32, %c0_i32_0 : i32, i32
  }
  func.func @transform_10(%arg0: i32) -> (i32, i32) {
    %c0_i32 = arith.constant 0 : i32
    %c0_i32_0 = arith.constant 0 : i32
    return %arg0, %c0_i32 : i32, i32
  }
  func.func @transform_11(%arg0: i32) -> (i32, i32) {
    %c0_i32 = arith.constant 0 : i32
    %c0_i32_0 = arith.constant 0 : i32
    return %arg0, %c0_i32 : i32, i32
  }
}

</mosaic_0001>

<sc_bundles>
// kernel: kernel.5.cloned.1.call-start
scs
__scs_entry_jumppad:
0x0: {  	(pc) =	sbr.rel $0x88, $3  }
0x1: {  	(tag) =	ssettag $0x0;
	lr =	simm.s32 $0x1  }
0x2: {  	[smem:$0x3F9D] =	sst lr;
	_ =	strace $0xD0000000  }
0x3: {  	_ = 	snop  }
0x4: {  	_ = 	snop  }
0x5: {  	_ = 	snop  }
0x6: {  	_ = 	snop  }
0x7: {  	_ = 	snop  }
__scs_overlays_trampoline_lowered:
0x8: {  	[smem:$0x3FAC] =	sst s0  }
0x9: {  	[smem:$0x3FAD] =	sst s1  }
0xa: {  	[smem:$0x3FAE] =	sst s2  }
0xb: {  	[smem:$0x3FAF] =	sst s3  }
0xc: {  	[smem:$0x3FB0] =	sst s4  }
0xd: {  	[smem:$0x3FB1] =	sst s5  }
0xe: {  	[smem:$0x3FB2] =	sst s6  }
0xf: {  	[smem:$0x3FB3] =	sst s7  }
0x10: {  	[smem:$0x3FB4] =	sst s8  }
0x11: {  	[smem:$0x3FB5] =	sst s9;
	s0 =	simm.s32 @!p0 $0x0  }
0x12: {  	s1 =	sld [smem:$0x3F9B];
	s0 =	simm.s32 @p0 $0x1  }
0x13: {  	[smem:$0x3FB6] =	sst s0;
	s0 =	simm.s32 @!p1 $0x0  }
0x14: {  	s2 =	sld [smem:$0x3F9A];
	s0 =	simm.s32 @p1 $0x1  }
0x15: {  	[smem:$0x3FB7] =	sst s0;
	s0 =	simm.s32 @!p2 $0x0  }
0x16: {  	s3 =	sld [smem:$0x3FDB];
	s0 =	simm.s32 @p2 $0x1  }
0x17: {  	s4 =	simm.s32 $0x1BF5;
	[smem:$0x3FB9] =	sst s0  }
0x18: {  	s0 =	sld [smem:$0x3F9C];
	_ =	swait.ge [sflag:s4], $0x0  }
0x19: {  	s7 =	sld [smem:$0x3F9D]  }
0x1a: {  	s8 =	sadd.s32 $0xFFFFE003, lr  }
0x1b: {  	s9 =	sadd.s32 $0xFFFFFEF7, lr;
	s5 =	simm.s32 $0xFFFFFFFF;
	p2 =	slt.u32 s8, $0xFFFFF086  }
0x1c: {  	p1 =	slt.u32 s9, $0xF7A;
	s5 =	simm.s32 @!p2 $0x0  }
0x1d: {  	s5 =	simm.s32 @p1 $0x1;
	p0 =	seq.s32 s7, s2  }
0x1e: {  	s7 =	smul.u32 @!p0 $0xF7A, s2;
	p2 =	seq.s32 @!p0 s5, $0x0  }
0x1f: {  	s9 =	smul.u32 $0xF7A, s1;
	s8 =	simm.s32 @!p0 $0x1BF5;
	p2 =	por !p2, p0  }
0x20: {  	[sflag:s8] =	ssyncset.s32 @!p0 $0xFFFFF086;
	s6 =	sadd.s32 @!p0 s3, s7;
	s7 =	simm.s32 @!p0 $0x108  }
0x21: {  	s3 =	sadd.s32 s3, s9;
	s6 =	sadd.s32 @!p0 $0x88, s6;
	s7 =	simm.s32 @p2 $0x1082  }
0x22: {  	[simem:s7], [sflag:s8] =	dma.local @!p0 [hbm:s6], $0xF7A  }
0x23: {  	s9 =	sor.u32 $0xD0000000, s2;
	s6 =	simm.s32 $0x108;
	_ =	swait.ge @!p0 [sflag:s8], $0x0  }
0x24: {  	s3 =	sadd.s32 $0x88, s3;
	s6 =	simm.s32 @!p1 $0x1082;
	[sflag:s4] =	ssyncset.s32 $0xFFFFF086  }
0x25: {  	[simem:s6], [sflag:s4] =	dma.local [hbm:s3], $0xF7A  }
0x26: {  	[smem:$0x3F9D] =	sst s1;
	(tag) =	ssettag s2;
	_ =	strace s9  }
0x27: {  	s1 =	sld [smem:$0x3FAD]  }
0x28: {  	s2 =	sld [smem:$0x3FAE]  }
0x29: {  	s4 =	sld [smem:$0x3FB0]  }
0x2a: {  	p0 =	seq.s32 s5, $0x0;
	s5 =	sld [smem:$0x3FB1]  }
0x2b: {  	s6 =	sld [smem:$0x3FB2]  }
0x2c: {  	s7 =	sld [smem:$0x3FB3]  }
0x2d: {  	s3 =	simm.s32 $0x108;
	s8 =	sld [smem:$0x3FB4]  }
0x2e: {  	s3 =	simm.s32 @!p0 $0x1082;
	s9 =	sld [smem:$0x3FB5]  }
0x2f: {  	lr =	sadd.s32 s0, s3;
	s0 =	sld [smem:$0x3FAC]  }
0x30: {  	s3 =	sld [smem:$0x3FAF]  }
0x31: {  	[smem:$0x3FB8] =	sst s10  }
0x32: {  	s10 =	sld [smem:$0x3FB6];
	_ =	sdelay $0x3  }
0x33: {  	p0 =	seq.s32 s10, $0x1;
	s10 =	sld [smem:$0x3FB8];
	_ =	sdelay $0x3  }
0x34: {  	[smem:$0x3FB8] =	sst s10  }
0x35: {  	s10 =	sld [smem:$0x3FB7];
	_ =	sdelay $0x3  }
0x36: {  	p1 =	seq.s32 s10, $0x1;
	s10 =	sld [smem:$0x3FB8];
	_ =	sdelay $0x3  }
0x37: {  	[smem:$0x3FB8] =	sst s10  }
0x38: {  	s10 =	sld [smem:$0x3FB9]  }
0x39: {  	_ = 	snop;
	(pc) =	sbr.ind lr, $3  }
0x3a: {  	_ = 	snop  }
0x3b: {  	_ = 	snop  }
0x3c: {  	p2 =	seq.s32 s10, $0x1;
	s10 =	sld [smem:$0x3FB8]  }
0x3d: {  	_ =	shalt  }
0x3e: {  	_ =	shalt  }
0x3f: {  	_ =	shalt  }
0x40: {  	_ =	shalt  }
0x41: {  	_ =	shalt  }
0x42: {  	_ =	shalt  }
0x43: {  	_ =	shalt  }
0x44: {  	_ =	shalt  }
0x45: {  	_ =	shalt  }
0x46: {  	_ =	shalt  }
0x47: {  	_ =	shalt  }
0x48: {  	_ =	shalt  }
0x49: {  	_ =	shalt  }
0x4a: {  	_ =	shalt  }
0x4b: {  	_ =	shalt  }
0x4c: {  	_ =	shalt  }
0x4d: {  	_ =	shalt  }
0x4e: {  	_ =	shalt  }
0x4f: {  	_ =	shalt  }
0x50: {  	_ =	shalt  }
0x51: {  	_ =	shalt  }
0x52: {  	_ =	shalt  }
0x53: {  	_ =	shalt  }
0x54: {  	_ =	shalt  }
0x55: {  	_ =	shalt  }
0x56: {  	_ =	shalt  }
0x57: {  	_ =	shalt  }
0x58: {  	_ =	shalt  }
0x59: {  	_ =	shalt  }
0x5a: {  	_ =	shalt  }
0x5b: {  	_ =	shalt  }
0x5c: {  	_ =	shalt  }
0x5d: {  	_ =	shalt  }
0x5e: {  	_ =	shalt  }
0x5f: {  	_ =	shalt  }
0x60: {  	_ =	shalt  }
0x61: {  	_ =	shalt  }
0x62: {  	_ =	shalt  }
0x63: {  	_ =	shalt  }
0x64: {  	_ =	shalt  }
0x65: {  	_ =	shalt  }
0x66: {  	_ =	shalt  }
0x67: {  	_ =	shalt  }
0x68: {  	_ =	shalt  }
0x69: {  	_ =	shalt  }
0x6a: {  	_ =	shalt  }
0x6b: {  	_ =	shalt  }
0x6c: {  	_ =	shalt  }
0x6d: {  	_ =	shalt  }
0x6e: {  	_ =	shalt  }
0x6f: {  	_ =	shalt  }
0x70: {  	_ =	shalt  }
0x71: {  	_ =	shalt  }
0x72: {  	_ =	shalt  }
0x73: {  	_ =	shalt  }
0x74: {  	_ =	shalt  }
0x75: {  	_ =	shalt  }
0x76: {  	_ =	shalt  }
0x77: {  	_ =	shalt  }
0x78: {  	_ =	shalt  }
0x79: {  	_ =	shalt  }
0x7a: {  	_ =	shalt  }
0x7b: {  	_ =	shalt  }
0x7c: {  	_ =	shalt  }
0x7d: {  	_ =	shalt  }
0x7e: {  	_ =	shalt  }
0x7f: {  	_ =	shalt  }
0x80: {  	_ =	shalt  }
0x81: {  	_ =	shalt  }
0x82: {  	_ =	shalt  }
0x83: {  	_ =	shalt  }
0x84: {  	_ =	shalt  }
0x85: {  	_ =	shalt  }
0x86: {  	_ =	shalt  }
0x87: {  	_ =	shalt  }
.Lfunc_end0:
.L_simem_size_0:
called_computation_lowered:
.L_overlay_start_0:
0x88: {  	s2 =	sld [smem:$0x3FD9]  }
0x89: {  	s3 =	sld [smem:$0x3FFE];
	_ =	sdelay $0x1  }
0x8a: {  	s1 =	srdreg.scid  }
0x8b: {  	s0 =	sand.u32 $0x1, s1  }
0x8c: {  	s14 =	sshll.u32 s0, $0xA;
	s2 =	sadd.s32 s3, s2  }
0x8d: {  	s2 =	sadd.s32 s2, s14  }
0x8e: {  	[smem:$0x3FC4] =	sst s2  }
0x8f: {  	_ = 	snop  }
0x90: {  	s2 =	sld [smem:$0x3FD0];
	_ =	sdelay $0x2  }
0x91: {  	s15 =	simm.s32 $0xA;
	s4 =	simm.s32 $0x10  }
0x92: {  	[smem:s4], [sflag:s15] =	dma.local [hbm:s2], $0x1  }
0x93: {  	_ =	swait.eq [sflag:s15], $0x1  }
0x94: {  	[sflag:s15] =	ssyncset.done $0x0  }
0x95: {  	s16 =	sld [smem:$0x10];
	[sflag:s15] =	ssyncadd.s32 $0xFFFFFFFF  }
0x96: {  	s17 =	sld [smem:$0x12];
	(tm) =	ssettm $0x1  }
0x97: {  	s18 =	sld [smem:$0x3FFB];
	_ =	sdelay $0x3  }
0x98: {  	_ =	strace s18  }
0x99: {  	s4 =	sld [smem:$0x3FFC];
	_ =	sdelay $0x3  }
0x9a: {  	_ =	strace s4  }
0x9b: {  	s4 =	sld [smem:$0x3FFD];
	_ =	sdelay $0x3  }
0x9c: {  	_ =	strace s4  }
0x9d: {  	_ =	strace $0x8FFFFFFF  }
0x9e: {  	s19 =	sld [smem:$0x3FDB];
	_ =	sdelay $0x1  }
0x9f: {  	s5 =	simm.s32 $_scs_section_size  }
0xa0: {  	s6 =	simm.s32 $_size__tile_overlayer_lowered;
	s7 =	simm.s32 $_tile_overlayer_lowered  }
0xa1: {  	s22 =	simm.s32 $0x1BFF;
	s21 =	sshll.u32 s7, $0x1;
	s4 =	sadd.s32 s5, s19  }
0xa2: {  	s8 =	simm.s32 $0x0;
	s20 =	sshll.u32 s6, $0x1;
	s6 =	sadd.s32 s21, s4  }
0xa3: {  	[timem:s8], [sflag:s22] =	dma.local [hbm:s6], s20  }
0xa4: {  	_ =	swait.ge [sflag:s22], s20  }
0xa5: {  	s5 =	ssub.s32 $0x0, s20;
	[sflag:s22] =	ssyncset.done $0x0  }
0xa6: {  	[sflag:s22] =	ssyncadd.s32 s5;
	_ =	sdelay $0x1  }
0xa7: {  	s23 =	simm.s32 $0x1B8B  }
0xa8: {  	_ =	swait.ge [sflag:s23], $0x1  }
0xa9: {  	[sflag:s23] =	ssyncset.done $0x0  }
0xaa: {  	s25 =	simm.s32 $0x1B8E;
	s24 =	sld [smem:$0x3FFE];
	[sflag:s23] =	ssyncadd.s32 $0xFFFFFFFF  }
0xab: {  	s26 =	simm.s32 $execute0_lowered;
	[smem:$0x3FD2] =	sst s25  }
0xac: {  	s6 =	sshll.u32 s26, $0x1;
	_ =	strace $0x80000046;
	[dreg:$0x1] =	wrdreg $0xFFFFFFFF  }
0xad: {  	s28 =	simm.s32 $_size_execute0_lowered;
	s4 =	sadd.s32 s4, s6;
	[dreg:$0x0] =	wrdreg $0x0  }
0xae: {  	s6 =	sshll.u32 s28, $0x1;
	[dreg:$0x2] =	wrdreg s4  }
0xaf: {  	[dreg:$0x3] =	wrdreg s6  }
0xb0: {  	[dreg:$0x4] =	wrdreg $0xC0  }
0xb1: {  	_ =	task [dreg:s8], $0x5FFFF  }
0xb2: {  	[dreg:$0x1] =	wrdreg $0xFFFFFFFF  }
0xb3: {  	[dreg:$0x0] =	wrdreg $0x60  }
0xb4: {  	[dreg:$0x2] =	wrdreg s24  }
0xb5: {  	[dreg:$0x3] =	wrdreg s17  }
0xb6: {  	[dreg:$0x4] =	wrdreg s16  }
0xb7: {  	[dreg:$0x5] =	wrdreg $0x9  }
0xb8: {  	_ =	task.clear_ibuf [dreg:s8], $0x6FFFF;
	_ =	strace $0x90000046  }
0xb9: {  	s29 =	simm.s32 $0x9;
	_ =	strace $0x80000048  }
0xba: {  	_ =	swait.ge [sflag:s29], $0x1  }
0xbb: {  	[sflag:s29] =	ssyncadd.s32 $0xFFFFFFFF  }
0xbc: {  	_ =	strace $0x90000048  }
0xbd: {  	_ =	sfence  }
0xbe: {  	s30 =	sld [smem:$0x0];
	_ =	sdelay $0x2  }
0xbf: {  	s31 =	sshll.u32 s1, $0xD;
	s1 =	sshrl.u32 s1, $0x2  }
0xc0: {  	s3 =	sand.u32 $0x4000, s31;
	s1 =	sadd.s32 s1, s30  }
0xc1: {  	s0 =	sor.u32 s3, s0;
	s1 =	sshll.u32 s1, $0x11  }
0xc2: {  	s0 =	sor.u32 s1, s0  }
0xc3: {  	s0 =	sadd.s32 $0x8F2B, s0  }
0xc4: {  	[sflag:s0] =	ssyncadd.remote.s32 $0x1  }
0xc5: {  	_ =	sfence.sel $0xFFFF  }
0xc6: {  	[dreg:$0x0] =	wrdreg $0xFFFFFFFF;
	(pc) =	sbr.abs _section_cstart, $3  }
0xc7: {  	[dreg:$0x1] =	wrdreg $0xFFFFFFFF  }
0xc8: {  	_ =	task.clear_ibuf [dreg:s8], $0x2FFFF;
	_ =	strace $0x9FFFFFFF  }
0xc9: {  	(tm) =	ssettm $0x7FFFFFFF  }
tec
execute0_lowered:
.L_overlay_start_1:
0x0: {  	(tag) =	ssettag $0x1  }
0x1: {  	s0 =	rddreg [dreg:$0x0]  }
0x2: {  	s1 =	srdreg.scid;
	s3 =	rddreg [dreg:$0x1]  }
0x3: {  	s9 =	stileid.u32;
	s4 =	rddreg [dreg:$0x2];
	s2 =	simm.s32 $0x0  }
0x4: {  	s29 =	simm.s32 $0x200;
	s30 =	simm.s32 $0x400;
	s31 =	simm.s32 $0x600  }
0x5: {  	s28 =	simm.s32 $0x680;
	p0 =	por $0x0, $0x0;
	s1 =	sand.u32 $0x1, s1  }
0x6: {  	s5 =	sshll.u32 s9, $0x7;
	[smem:$0x7FF] =	sst s2;
	s8 =	sadd.s32 $0x2600, s0  }
0x7: {  	s22 =	sshll.u32 s9, $0xE;
	s26 =	sadd.s32 $0x42600, s0;
	s10 =	sadd.s32 $0x82600, s0  }
0x8: {  	s11 =	sadd.s32 $0xC2600, s0;
	s6 =	sshll.u32 s1, $0x6;
	_ =	strace $0x80000047  }
0x9: {  	s23 =	sshll.u32 s1, $0xD;
	s1 =	ssub.s32 $0x2, s1;
	s5 =	sor.u32 s6, s5  }
0xa: {  	s25 =	sor.u32 s23, s22;
	s20 =	sshrl.u32 s1, $0x1;
	s6 =	sadd.s32 s5, s0  }
0xb: {  	s3 =	sadd.s32 s3, s5;
	s24 =	sadd.s32 s4, s5;
	s5 =	sadd.s32 s8, s25  }
0xc: {  	s9 =	sadd.s32 s10, s25;
	s12 =	sadd.s32 s11, s25;
	[dreg:$0x5] =	wrdreg s3  }
0xd: {  	s13 =	sor.u32 $0x800, s25;
	s18 =	sor.u32 $0x1000, s25;
	[dreg:$0x7] =	wrdreg s24  }
0xe: {  	s1 =	ssub.s32 s1, s20;
	s23 =	sor.u32 $0x1800, s25;
	[dreg:$0x8] =	wrdreg s5  }
0xf: {  	s20 =	simm.s32 $0x780;
	s7 =	sadd.s32 $0x1600, s6;
	[dreg:$0xa] =	wrdreg s9  }
0x10: {  	s21 =	sadd.s32 $0x1E00, s6;
	[dreg:$0xb] =	wrdreg s12;
	s14 =	sadd.s32 s8, s13  }
0x11: {  	s5 =	sadd.s32 $0x16E4C00, s0;
	s15 =	sadd.s32 s26, s13;
	s16 =	sadd.s32 s10, s13  }
0x12: {  	s17 =	sadd.s32 s11, s13;
	s19 =	sadd.s32 s8, s18;
	[dreg:$0x4] =	wrdreg s7  }
0x13: {  	s22 =	sadd.s32 s10, s18;
	s9 =	sadd.s32 s8, s23;
	[dreg:$0x6] =	wrdreg s21  }
0x14: {  	s8 =	sadd.s32 s26, s23;
	s6 =	sadd.s32 s10, s23;
	[dreg:$0xc] =	wrdreg s14  }
0x15: {  	s4 =	sadd.s32 s11, s23;
	s24 =	smax.u32 s1, $0x1;
	[dreg:$0xd] =	wrdreg s15  }
0x16: {  	s3 =	simm.s32 $0x2;
	s13 =	simm.s32 $0x800;
	[dreg:$0xe] =	wrdreg s16  }
0x17: {  	s12 =	simm.s32 $0x4800;
	s10 =	simm.s32 $0xC800;
	[dreg:$0xf] =	wrdreg s17  }
0x18: {  	s23 =	simm.s32 $0x500;
	s7 =	sadd.s32 s26, s25;
	[dreg:$0x10] =	wrdreg s19  }
0x19: {  	s21 =	sadd.s32 s26, s18;
	[dreg:$0x12] =	wrdreg s22;
	s15 =	sadd.s32 s11, s18  }
0x1a: {  	s16 =	simm.s32 $0x80;
	s11 =	simm.s32 $0x8800;
	p1 =	sne.s32 s24, $0x1  }
.Ltmp0:
0x1b: {  	s14 =	simm.s32 $0x1;
	s25 =	simm.s32 $0x280;
	(pc) =	sbr.rel @!p1 .LBB2_3-.Ltmp0, $4  }
0x1c: {  	s26 =	simm.s32 $0x480;
	s22 =	simm.s32 $0x300;
	s1 =	sadd.s32 $0xFFFFFFFF, s24  }
0x1d: {  	s24 =	simm.s32 $0x700;
	s17 =	simm.s32 $0x180;
	[dreg:$0x9] =	wrdreg s7  }
0x1e: {  	s18 =	simm.s32 $0x380;
	s19 =	simm.s32 $0x580;
	[dreg:$0x11] =	wrdreg s21  }
0x1f: {  	s7 =	sadd.s32 $0xF43A00, s0;
	s21 =	simm.s32 $0x100;
	s0 =	rddreg [dreg:$0x4]  }
0x20: {  	[tilespmem:s2], [sflag:$0x2] =	stream.linear.gather [hbm4b:s0+s2], $0x200, $0x38;
	[tilespmem:$0x10800] =	vst v63  }
0x21: {  	_ =	swait.ge [sflag:s3], $0x200  }
0x22: {  	[sflag:s3] =	ssyncset.done $0x0  }
0x23: {  	s0 =	rddreg [dreg:$0x5];
	[sflag:s3] =	ssyncadd.s32 $0xFFFFFE00  }
0x24: {  	[tilespmem:s29], [sflag:$0x2] =	stream.linear.gather [hbm4b:s0+s2], $0x200, $0x38;
	[tilespmem:$0x10800] =	vst v63  }
0x25: {  	_ =	swait.ge [sflag:s3], $0x200  }
0x26: {  	[sflag:s3] =	ssyncset.done $0x0  }
0x27: {  	s0 =	rddreg [dreg:$0x6];
	[sflag:s3] =	ssyncadd.s32 $0xFFFFFE00  }
0x28: {  	[tilespmem:s30], [sflag:$0x2] =	stream.linear.gather [hbm4b:s0+s2], $0x200, $0x38;
	[tilespmem:$0x10800] =	vst v63  }
0x29: {  	_ =	swait.ge [sflag:s3], $0x200  }
0x2a: {  	[sflag:s3] =	ssyncset.done $0x0  }
0x2b: {  	s0 =	rddreg [dreg:$0x7];
	[sflag:s3] =	ssyncadd.s32 $0xFFFFFE00  }
0x2c: {  	[tilespmem:s31], [sflag:$0x2] =	stream.linear.gather [hbm4b:s0+s2], $0x200, $0x38;
	[tilespmem:$0x10800] =	vst v63  }
0x2d: {  	_ =	swait.ge [sflag:s3], $0x200  }
0x2e: {  	[sflag:s3] =	ssyncset.done $0x0  }
0x2f: {  	[sflag:s3] =	ssyncadd.s32 $0xFFFFFE00  }
0x30: {  	[tilespmem:s13], [sflag:$0x1] =	stream.indirect.gather [hbm4b:s7+s16], $0x80, s2, s16, $0xb8;
	[tilespmem:$0x10800] =	vst v63  }
0x31: {  	_ = 	snop  }
0x32: {  	[tilespmem:s12], [sflag:$0x1] =	stream.indirect.gather [hbm4b:s7+s16], $0x80, s29, s16, $0xb8;
	[tilespmem:$0x10800] =	vst v63  }
0x33: {  	_ = 	snop  }
0x34: {  	[tilespmem:s11], [sflag:$0x1] =	stream.indirect.gather [hbm4b:s5+s16], $0x80, s30, s16, $0xb8;
	[tilespmem:$0x10800] =	vst v63  }
0x35: {  	_ = 	snop  }
0x36: {  	[tilespmem:s10], [sflag:$0x1] =	stream.indirect.gather [hbm4b:s5+s16], $0x80, s31, s16, $0xb8;
	[tilespmem:$0x10800] =	vst v63  }
0x37: {  	_ =	swait.ge [sflag:s14], $0x4000  }
0x38: {  	[sflag:s14] =	ssyncset.done $0x0  }
0x39: {  	[sflag:s14] =	ssyncadd.s32 $0xFFFFC000  }
0x3a: {  	_ =	swait.ge [sflag:s14], $0x4000  }
0x3b: {  	[sflag:s14] =	ssyncset.done $0x0  }
0x3c: {  	[sflag:s14] =	ssyncadd.s32 $0xFFFFC000  }
0x3d: {  	_ =	swait.ge [sflag:s14], $0x4000  }
0x3e: {  	[sflag:s14] =	ssyncset.done $0x0  }
0x3f: {  	[sflag:s14] =	ssyncadd.s32 $0xFFFFC000  }
0x40: {  	_ =	swait.ge [sflag:s14], $0x4000  }
0x41: {  	[sflag:s14] =	ssyncset.done $0x0  }
0x42: {  	s0 =	rddreg [dreg:$0x8];
	[sflag:s14] =	ssyncadd.s32 $0xFFFFC000  }
0x43: {  	[hbm4b:s0+s2] =	stream.linear.scatter [tilespmem:s13], [sflag:$0x2], $0x4000, $0x38;
	[tilespmem:$0x10800] =	vst v63  }
0x44: {  	_ =	swait.ge [sflag:s3], $0x4000  }
0x45: {  	[sflag:s3] =	ssyncset.done $0x0  }
0x46: {  	s0 =	rddreg [dreg:$0x9];
	[sflag:s3] =	ssyncadd.s32 $0xFFFFC000  }
0x47: {  	[hbm4b:s0+s2] =	stream.linear.scatter [tilespmem:s12], [sflag:$0x2], $0x4000, $0x38;
	[tilespmem:$0x10800] =	vst v63  }
0x48: {  	_ =	swait.ge [sflag:s3], $0x4000  }
0x49: {  	[sflag:s3] =	ssyncset.done $0x0  }
0x4a: {  	s0 =	rddreg [dreg:$0xa];
	[sflag:s3] =	ssyncadd.s32 $0xFFFFC000  }
0x4b: {  	[hbm4b:s0+s2] =	stream.linear.scatter [tilespmem:s11], [sflag:$0x2], $0x4000, $0x38;
	[tilespmem:$0x10800] =	vst v63  }
0x4c: {  	_ =	swait.ge [sflag:s3], $0x4000  }
0x4d: {  	[sflag:s3] =	ssyncset.done $0x0  }
0x4e: {  	s0 =	rddreg [dreg:$0xb];
	[sflag:s3] =	ssyncadd.s32 $0xFFFFC000  }
0x4f: {  	[hbm4b:s0+s2] =	stream.linear.scatter [tilespmem:s10], [sflag:$0x2], $0x4000, $0x38;
	[tilespmem:$0x10800] =	vst v63  }
0x50: {  	_ =	swait.ge [sflag:s3], $0x4000  }
0x51: {  	[sflag:s3] =	ssyncset.done $0x0  }
0x52: {  	[sflag:s3] =	ssyncadd.s32 $0xFFFFC000  }
0x53: {  	[tilespmem:s13], [sflag:$0x1] =	stream.indirect.gather [hbm4b:s7+s16], $0x80, s16, s16, $0xb8;
	[tilespmem:$0x10800] =	vst v63  }
0x54: {  	_ = 	snop  }
0x55: {  	[tilespmem:s12], [sflag:$0x1] =	stream.indirect.gather [hbm4b:s7+s16], $0x80, s25, s16, $0xb8;
	[tilespmem:$0x10800] =	vst v63  }
0x56: {  	_ = 	snop  }
0x57: {  	[tilespmem:s11], [sflag:$0x1] =	stream.indirect.gather [hbm4b:s5+s16], $0x80, s26, s16, $0xb8;
	[tilespmem:$0x10800] =	vst v63  }
0x58: {  	_ = 	snop  }
0x59: {  	[tilespmem:s10], [sflag:$0x1] =	stream.indirect.gather [hbm4b:s5+s16], $0x80, s28, s16, $0xb8;
	[tilespmem:$0x10800] =	vst v63  }
0x5a: {  	_ =	swait.ge [sflag:s14], $0x4000  }
0x5b: {  	[sflag:s14] =	ssyncset.done $0x0  }
0x5c: {  	[sflag:s14] =	ssyncadd.s32 $0xFFFFC000  }
0x5d: {  	_ =	swait.ge [sflag:s14], $0x4000  }
0x5e: {  	[sflag:s14] =	ssyncset.done $0x0  }
0x5f: {  	[sflag:s14] =	ssyncadd.s32 $0xFFFFC000  }
0x60: {  	_ =	swait.ge [sflag:s14], $0x4000  }
0x61: {  	[sflag:s14] =	ssyncset.done $0x0  }
0x62: {  	[sflag:s14] =	ssyncadd.s32 $0xFFFFC000  }
0x63: {  	_ =	swait.ge [sflag:s14], $0x4000  }
0x64: {  	[sflag:s14] =	ssyncset.done $0x0  }
0x65: {  	s0 =	rddreg [dreg:$0xc];
	[sflag:s14] =	ssyncadd.s32 $0xFFFFC000  }
0x66: {  	[hbm4b:s0+s2] =	stream.linear.scatter [tilespmem:s13], [sflag:$0x2], $0x4000, $0x38;
	[tilespmem:$0x10800] =	vst v63  }
0x67: {  	_ =	swait.ge [sflag:s3], $0x4000  }
0x68: {  	[sflag:s3] =	ssyncset.done $0x0  }
0x69: {  	s0 =	rddreg [dreg:$0xd];
	[sflag:s3] =	ssyncadd.s32 $0xFFFFC000  }
0x6a: {  	[hbm4b:s0+s2] =	stream.linear.scatter [tilespmem:s12], [sflag:$0x2], $0x4000, $0x38;
	[tilespmem:$0x10800] =	vst v63  }
0x6b: {  	_ =	swait.ge [sflag:s3], $0x4000  }
0x6c: {  	[sflag:s3] =	ssyncset.done $0x0  }
0x6d: {  	s0 =	rddreg [dreg:$0xe];
	[sflag:s3] =	ssyncadd.s32 $0xFFFFC000  }
0x6e: {  	[hbm4b:s0+s2] =	stream.linear.scatter [tilespmem:s11], [sflag:$0x2], $0x4000, $0x38;
	[tilespmem:$0x10800] =	vst v63  }
0x6f: {  	_ =	swait.ge [sflag:s3], $0x4000  }
0x70: {  	[sflag:s3] =	ssyncset.done $0x0  }
0x71: {  	s0 =	rddreg [dreg:$0xf];
	[sflag:s3] =	ssyncadd.s32 $0xFFFFC000  }
0x72: {  	[hbm4b:s0+s2] =	stream.linear.scatter [tilespmem:s10], [sflag:$0x2], $0x4000, $0x38;
	[tilespmem:$0x10800] =	vst v63  }
0x73: {  	_ =	swait.ge [sflag:s3], $0x4000  }
0x74: {  	[sflag:s3] =	ssyncset.done $0x0  }
0x75: {  	[sflag:s3] =	ssyncadd.s32 $0xFFFFC000  }
0x76: {  	[tilespmem:s13], [sflag:$0x1] =	stream.indirect.gather [hbm4b:s7+s16], $0x80, s21, s16, $0xb8;
	[tilespmem:$0x10800] =	vst v63  }
0x77: {  	_ = 	snop  }
0x78: {  	[tilespmem:s12], [sflag:$0x1] =	stream.indirect.gather [hbm4b:s7+s16], $0x80, s22, s16, $0xb8;
	[tilespmem:$0x10800] =	vst v63  }
0x79: {  	_ = 	snop  }
0x7a: {  	[tilespmem:s11], [sflag:$0x1] =	stream.indirect.gather [hbm4b:s5+s16], $0x80, s23, s16, $0xb8;
	[tilespmem:$0x10800] =	vst v63  }
0x7b: {  	_ = 	snop  }
0x7c: {  	[tilespmem:s10], [sflag:$0x1] =	stream.indirect.gather [hbm4b:s5+s16], $0x80, s24, s16, $0xb8;
	[tilespmem:$0x10800] =	vst v63  }
0x7d: {  	_ =	swait.ge [sflag:s14], $0x4000  }
0x7e: {  	[sflag:s14] =	ssyncset.done $0x0  }
0x7f: {  	[sflag:s14] =	ssyncadd.s32 $0xFFFFC000  }
0x80: {  	_ =	swait.ge [sflag:s14], $0x4000  }
0x81: {  	[sflag:s14] =	ssyncset.done $0x0  }
0x82: {  	[sflag:s14] =	ssyncadd.s32 $0xFFFFC000  }
0x83: {  	_ =	swait.ge [sflag:s14], $0x4000  }
0x84: {  	[sflag:s14] =	ssyncset.done $0x0  }
0x85: {  	[sflag:s14] =	ssyncadd.s32 $0xFFFFC000  }
0x86: {  	_ =	swait.ge [sflag:s14], $0x4000  }
0x87: {  	[sflag:s14] =	ssyncset.done $0x0  }
0x88: {  	s0 =	rddreg [dreg:$0x10];
	[sflag:s14] =	ssyncadd.s32 $0xFFFFC000  }
0x89: {  	[hbm4b:s0+s2] =	stream.linear.scatter [tilespmem:s13], [sflag:$0x2], $0x4000, $0x38;
	[tilespmem:$0x10800] =	vst v63  }
0x8a: {  	_ =	swait.ge [sflag:s3], $0x4000  }
0x8b: {  	[sflag:s3] =	ssyncset.done $0x0  }
0x8c: {  	s0 =	rddreg [dreg:$0x11];
	[sflag:s3] =	ssyncadd.s32 $0xFFFFC000  }
0x8d: {  	[hbm4b:s0+s2] =	stream.linear.scatter [tilespmem:s12], [sflag:$0x2], $0x4000, $0x38;
	[tilespmem:$0x10800] =	vst v63  }
0x8e: {  	_ =	swait.ge [sflag:s3], $0x4000  }
0x8f: {  	[sflag:s3] =	ssyncset.done $0x0  }
0x90: {  	s0 =	rddreg [dreg:$0x12];
	[sflag:s3] =	ssyncadd.s32 $0xFFFFC000  }
0x91: {  	[hbm4b:s0+s2] =	stream.linear.scatter [tilespmem:s11], [sflag:$0x2], $0x4000, $0x38;
	[tilespmem:$0x10800] =	vst v63  }
0x92: {  	_ =	swait.ge [sflag:s3], $0x4000  }
0x93: {  	[sflag:s3] =	ssyncset.done $0x0  }
0x94: {  	[sflag:s3] =	ssyncadd.s32 $0xFFFFC000  }
0x95: {  	[hbm4b:s15+s2] =	stream.linear.scatter [tilespmem:s10], [sflag:$0x2], $0x4000, $0x38;
	[tilespmem:$0x10800] =	vst v63  }
0x96: {  	_ =	swait.ge [sflag:s3], $0x4000  }
0x97: {  	[sflag:s3] =	ssyncset.done $0x0  }
0x98: {  	[sflag:s3] =	ssyncadd.s32 $0xFFFFC000  }
0x99: {  	[tilespmem:s13], [sflag:$0x1] =	stream.indirect.gather [hbm4b:s7+s16], $0x80, s17, s16, $0xb8;
	[tilespmem:$0x10800] =	vst v63  }
0x9a: {  	_ = 	snop  }
0x9b: {  	[tilespmem:s12], [sflag:$0x1] =	stream.indirect.gather [hbm4b:s7+s16], $0x80, s18, s16, $0xb8;
	[tilespmem:$0x10800] =	vst v63  }
0x9c: {  	_ = 	snop  }
0x9d: {  	[tilespmem:s11], [sflag:$0x1] =	stream.indirect.gather [hbm4b:s5+s16], $0x80, s19, s16, $0xb8;
	[tilespmem:$0x10800] =	vst v63  }
0x9e: {  	_ = 	snop  }
0x9f: {  	[tilespmem:s10], [sflag:$0x1] =	stream.indirect.gather [hbm4b:s5+s16], $0x80, s20, s16, $0xb8;
	[tilespmem:$0x10800] =	vst v63  }
0xa0: {  	_ =	swait.ge [sflag:s14], $0x4000  }
0xa1: {  	[sflag:s14] =	ssyncset.done $0x0  }
0xa2: {  	[sflag:s14] =	ssyncadd.s32 $0xFFFFC000  }
0xa3: {  	_ =	swait.ge [sflag:s14], $0x4000  }
0xa4: {  	[sflag:s14] =	ssyncset.done $0x0  }
0xa5: {  	[sflag:s14] =	ssyncadd.s32 $0xFFFFC000  }
0xa6: {  	_ =	swait.ge [sflag:s14], $0x4000  }
0xa7: {  	[sflag:s14] =	ssyncset.done $0x0  }
0xa8: {  	[sflag:s14] =	ssyncadd.s32 $0xFFFFC000  }
0xa9: {  	_ =	swait.ge [sflag:s14], $0x4000  }
0xaa: {  	[sflag:s14] =	ssyncset.done $0x0  }
0xab: {  	[sflag:s14] =	ssyncadd.s32 $0xFFFFC000  }
0xac: {  	[hbm4b:s9+s2] =	stream.linear.scatter [tilespmem:s13], [sflag:$0x2], $0x4000, $0x38;
	[tilespmem:$0x10800] =	vst v63  }
0xad: {  	_ =	swait.ge [sflag:s3], $0x4000  }
0xae: {  	[sflag:s3] =	ssyncset.done $0x0  }
0xaf: {  	[sflag:s3] =	ssyncadd.s32 $0xFFFFC000  }
0xb0: {  	[hbm4b:s8+s2] =	stream.linear.scatter [tilespmem:s12], [sflag:$0x2], $0x4000, $0x38;
	[tilespmem:$0x10800] =	vst v63  }
0xb1: {  	_ =	swait.ge [sflag:s3], $0x4000  }
0xb2: {  	[sflag:s3] =	ssyncset.done $0x0  }
0xb3: {  	[sflag:s3] =	ssyncadd.s32 $0xFFFFC000  }
0xb4: {  	[hbm4b:s6+s2] =	stream.linear.scatter [tilespmem:s11], [sflag:$0x2], $0x4000, $0x38;
	[tilespmem:$0x10800] =	vst v63  }
0xb5: {  	p1 =	sne.s32 s1, $0x1;
	_ =	swait.ge [sflag:s3], $0x4000  }
.Ltmp1:
0xb6: {  	[sflag:s3] =	ssyncset.done $0x0;
	(pc) =	sbr.rel @!p1 .LBB2_3-.Ltmp1, $4  }
0xb7: {  	[sflag:s3] =	ssyncadd.s32 $0xFFFFC000  }
0xb8: {  	[hbm4b:s4+s2] =	stream.linear.scatter [tilespmem:s10], [sflag:$0x2], $0x4000, $0x38;
	[tilespmem:$0x10800] =	vst v63  }
0xb9: {  	s1 =	sadd.s32 $0xFFFFFFFF, s1;
	_ =	swait.ge [sflag:s3], $0x4000  }
0xba: {  	p0 =	por $0x1, $0x1;
	s0 =	rddreg [dreg:$0x4];
	[sflag:s3] =	ssyncset.done $0x0  }
.LBB2_2:
0xbb: {  	[sflag:s3] =	ssyncadd.s32 $0xFFFFC000  }
0xbc: {  	[tilespmem:s2], [sflag:$0x2] =	stream.linear.gather [hbm4b:s0+s2], $0x200, $0x38;
	[tilespmem:$0x10800] =	vst v63  }
0xbd: {  	_ =	swait.ge [sflag:s3], $0x200  }
0xbe: {  	[sflag:s3] =	ssyncset.done $0x0  }
0xbf: {  	s0 =	rddreg [dreg:$0x5];
	[sflag:s3] =	ssyncadd.s32 $0xFFFFFE00  }
0xc0: {  	[tilespmem:s29], [sflag:$0x2] =	stream.linear.gather [hbm4b:s0+s2], $0x200, $0x38;
	[tilespmem:$0x10800] =	vst v63  }
0xc1: {  	_ =	swait.ge [sflag:s3], $0x200  }
0xc2: {  	[sflag:s3] =	ssyncset.done $0x0  }
0xc3: {  	s0 =	rddreg [dreg:$0x6];
	[sflag:s3] =	ssyncadd.s32 $0xFFFFFE00  }
0xc4: {  	[tilespmem:s30], [sflag:$0x2] =	stream.linear.gather [hbm4b:s0+s2], $0x200, $0x38;
	[tilespmem:$0x10800] =	vst v63  }
0xc5: {  	_ =	swait.ge [sflag:s3], $0x200  }
0xc6: {  	[sflag:s3] =	ssyncset.done $0x0  }
0xc7: {  	s0 =	rddreg [dreg:$0x7];
	[sflag:s3] =	ssyncadd.s32 $0xFFFFFE00  }
0xc8: {  	[tilespmem:s31], [sflag:$0x2] =	stream.linear.gather [hbm4b:s0+s2], $0x200, $0x38;
	[tilespmem:$0x10800] =	vst v63  }
0xc9: {  	_ =	swait.ge [sflag:s3], $0x200  }
0xca: {  	[sflag:s3] =	ssyncset.done $0x0  }
0xcb: {  	[sflag:s3] =	ssyncadd.s32 $0xFFFFFE00  }
0xcc: {  	[tilespmem:s13], [sflag:$0x1] =	stream.indirect.gather [hbm4b:s7+s16], $0x80, s2, s16, $0xb8;
	[tilespmem:$0x10800] =	vst v63  }
0xcd: {  	_ = 	snop  }
0xce: {  	[tilespmem:s12], [sflag:$0x1] =	stream.indirect.gather [hbm4b:s7+s16], $0x80, s29, s16, $0xb8;
	[tilespmem:$0x10800] =	vst v63  }
0xcf: {  	_ = 	snop  }
0xd0: {  	[tilespmem:s11], [sflag:$0x1] =	stream.indirect.gather [hbm4b:s5+s16], $0x80, s30, s16, $0xb8;
	[tilespmem:$0x10800] =	vst v63  }
0xd1: {  	_ = 	snop  }
0xd2: {  	[tilespmem:s10], [sflag:$0x1] =	stream.indirect.gather [hbm4b:s5+s16], $0x80, s31, s16, $0xb8;
	[tilespmem:$0x10800] =	vst v63  }
0xd3: {  	_ =	swait.ge [sflag:s14], $0x4000  }
0xd4: {  	[sflag:s14] =	ssyncset.done $0x0  }
0xd5: {  	[sflag:s14] =	ssyncadd.s32 $0xFFFFC000  }
0xd6: {  	_ =	swait.ge [sflag:s14], $0x4000  }
0xd7: {  	[sflag:s14] =	ssyncset.done $0x0  }
0xd8: {  	[sflag:s14] =	ssyncadd.s32 $0xFFFFC000  }
0xd9: {  	_ =	swait.ge [sflag:s14], $0x4000  }
0xda: {  	[sflag:s14] =	ssyncset.done $0x0  }
0xdb: {  	[sflag:s14] =	ssyncadd.s32 $0xFFFFC000  }
0xdc: {  	_ =	swait.ge [sflag:s14], $0x4000  }
0xdd: {  	[sflag:s14] =	ssyncset.done $0x0  }
0xde: {  	s0 =	rddreg [dreg:$0x8];
	[sflag:s14] =	ssyncadd.s32 $0xFFFFC000  }
0xdf: {  	[hbm4b:s0+s2] =	stream.linear.scatter [tilespmem:s13], [sflag:$0x2], $0x4000, $0x38;
	[tilespmem:$0x10800] =	vst v63  }
0xe0: {  	_ =	swait.ge [sflag:s3], $0x4000  }
0xe1: {  	[sflag:s3] =	ssyncset.done $0x0  }
0xe2: {  	s0 =	rddreg [dreg:$0x9];
	[sflag:s3] =	ssyncadd.s32 $0xFFFFC000  }
0xe3: {  	[hbm4b:s0+s2] =	stream.linear.scatter [tilespmem:s12], [sflag:$0x2], $0x4000, $0x38;
	[tilespmem:$0x10800] =	vst v63  }
0xe4: {  	_ =	swait.ge [sflag:s3], $0x4000  }
0xe5: {  	[sflag:s3] =	ssyncset.done $0x0  }
0xe6: {  	s0 =	rddreg [dreg:$0xa];
	[sflag:s3] =	ssyncadd.s32 $0xFFFFC000  }
0xe7: {  	[hbm4b:s0+s2] =	stream.linear.scatter [tilespmem:s11], [sflag:$0x2], $0x4000, $0x38;
	[tilespmem:$0x10800] =	vst v63  }
0xe8: {  	_ =	swait.ge [sflag:s3], $0x4000  }
0xe9: {  	[sflag:s3] =	ssyncset.done $0x0  }
0xea: {  	s0 =	rddreg [dreg:$0xb];
	[sflag:s3] =	ssyncadd.s32 $0xFFFFC000  }
0xeb: {  	[hbm4b:s0+s2] =	stream.linear.scatter [tilespmem:s10], [sflag:$0x2], $0x4000, $0x38;
	[tilespmem:$0x10800] =	vst v63  }
0xec: {  	_ =	swait.ge [sflag:s3], $0x4000  }
0xed: {  	[sflag:s3] =	ssyncset.done $0x0  }
0xee: {  	[sflag:s3] =	ssyncadd.s32 $0xFFFFC000  }
0xef: {  	[tilespmem:s13], [sflag:$0x1] =	stream.indirect.gather [hbm4b:s7+s16], $0x80, s16, s16, $0xb8;
	[tilespmem:$0x10800] =	vst v63  }
0xf0: {  	_ = 	snop  }
0xf1: {  	[tilespmem:s12], [sflag:$0x1] =	stream.indirect.gather [hbm4b:s7+s16], $0x80, s25, s16, $0xb8;
	[tilespmem:$0x10800] =	vst v63  }
0xf2: {  	_ = 	snop  }
0xf3: {  	[tilespmem:s11], [sflag:$0x1] =	stream.indirect.gather [hbm4b:s5+s16], $0x80, s26, s16, $0xb8;
	[tilespmem:$0x10800] =	vst v63  }
0xf4: {  	_ = 	snop  }
0xf5: {  	[tilespmem:s10], [sflag:$0x1] =	stream.indirect.gather [hbm4b:s5+s16], $0x80, s28, s16, $0xb8;
	[tilespmem:$0x10800] =	vst v63  }
0xf6: {  	_ =	swait.ge [sflag:s14], $0x4000  }
0xf7: {  	[sflag:s14] =	ssyncset.done $0x0  }
0xf8: {  	[sflag:s14] =	ssyncadd.s32 $0xFFFFC000  }
0xf9: {  	_ =	swait.ge [sflag:s14], $0x4000  }
0xfa: {  	[sflag:s14] =	ssyncset.done $0x0  }
0xfb: {  	[sflag:s14] =	ssyncadd.s32 $0xFFFFC000  }
0xfc: {  	_ =	swait.ge [sflag:s14], $0x4000  }
0xfd: {  	[sflag:s14] =	ssyncset.done $0x0  }
0xfe: {  	[sflag:s14] =	ssyncadd.s32 $0xFFFFC000  }
0xff: {  	_ =	swait.ge [sflag:s14], $0x4000  }
0x100: {  	[sflag:s14] =	ssyncset.done $0x0  }
0x101: {  	s0 =	rddreg [dreg:$0xc];
	[sflag:s14] =	ssyncadd.s32 $0xFFFFC000  }
0x102: {  	[hbm4b:s0+s2] =	stream.linear.scatter [tilespmem:s13], [sflag:$0x2], $0x4000, $0x38;
	[tilespmem:$0x10800] =	vst v63  }
0x103: {  	_ =	swait.ge [sflag:s3], $0x4000  }
0x104: {  	[sflag:s3] =	ssyncset.done $0x0  }
0x105: {  	s0 =	rddreg [dreg:$0xd];
	[sflag:s3] =	ssyncadd.s32 $0xFFFFC000  }
0x106: {  	[hbm4b:s0+s2] =	stream.linear.scatter [tilespmem:s12], [sflag:$0x2], $0x4000, $0x38;
	[tilespmem:$0x10800] =	vst v63  }
0x107: {  	_ =	swait.ge [sflag:s3], $0x4000  }
0x108: {  	[sflag:s3] =	ssyncset.done $0x0  }
0x109: {  	s0 =	rddreg [dreg:$0xe];
	[sflag:s3] =	ssyncadd.s32 $0xFFFFC000  }
0x10a: {  	[hbm4b:s0+s2] =	stream.linear.scatter [tilespmem:s11], [sflag:$0x2], $0x4000, $0x38;
	[tilespmem:$0x10800] =	vst v63  }
0x10b: {  	_ =	swait.ge [sflag:s3], $0x4000  }
0x10c: {  	[sflag:s3] =	ssyncset.done $0x0  }
0x10d: {  	s0 =	rddreg [dreg:$0xf];
	[sflag:s3] =	ssyncadd.s32 $0xFFFFC000  }
0x10e: {  	[hbm4b:s0+s2] =	stream.linear.scatter [tilespmem:s10], [sflag:$0x2], $0x4000, $0x38;
	[tilespmem:$0x10800] =	vst v63  }
0x10f: {  	_ =	swait.ge [sflag:s3], $0x4000  }
0x110: {  	[sflag:s3] =	ssyncset.done $0x0  }
0x111: {  	[sflag:s3] =	ssyncadd.s32 $0xFFFFC000  }
0x112: {  	[tilespmem:s13], [sflag:$0x1] =	stream.indirect.gather [hbm4b:s7+s16], $0x80, s21, s16, $0xb8;
	[tilespmem:$0x10800] =	vst v63  }
0x113: {  	_ = 	snop  }
0x114: {  	[tilespmem:s12], [sflag:$0x1] =	stream.indirect.gather [hbm4b:s7+s16], $0x80, s22, s16, $0xb8;
	[tilespmem:$0x10800] =	vst v63  }
0x115: {  	_ = 	snop  }
0x116: {  	[tilespmem:s11], [sflag:$0x1] =	stream.indirect.gather [hbm4b:s5+s16], $0x80, s23, s16, $0xb8;
	[tilespmem:$0x10800] =	vst v63  }
0x117: {  	_ = 	snop  }
0x118: {  	[tilespmem:s10], [sflag:$0x1] =	stream.indirect.gather [hbm4b:s5+s16], $0x80, s24, s16, $0xb8;
	[tilespmem:$0x10800] =	vst v63  }
0x119: {  	_ =	swait.ge [sflag:s14], $0x4000  }
0x11a: {  	[sflag:s14] =	ssyncset.done $0x0  }
0x11b: {  	[sflag:s14] =	ssyncadd.s32 $0xFFFFC000  }
0x11c: {  	_ =	swait.ge [sflag:s14], $0x4000  }
0x11d: {  	[sflag:s14] =	ssyncset.done $0x0  }
0x11e: {  	[sflag:s14] =	ssyncadd.s32 $0xFFFFC000  }
0x11f: {  	_ =	swait.ge [sflag:s14], $0x4000  }
0x120: {  	[sflag:s14] =	ssyncset.done $0x0  }
0x121: {  	[sflag:s14] =	ssyncadd.s32 $0xFFFFC000  }
0x122: {  	_ =	swait.ge [sflag:s14], $0x4000  }
0x123: {  	[sflag:s14] =	ssyncset.done $0x0  }
0x124: {  	s0 =	rddreg [dreg:$0x10];
	[sflag:s14] =	ssyncadd.s32 $0xFFFFC000  }
0x125: {  	[hbm4b:s0+s2] =	stream.linear.scatter [tilespmem:s13], [sflag:$0x2], $0x4000, $0x38;
	[tilespmem:$0x10800] =	vst v63  }
0x126: {  	_ =	swait.ge [sflag:s3], $0x4000  }
0x127: {  	[sflag:s3] =	ssyncset.done $0x0  }
0x128: {  	s0 =	rddreg [dreg:$0x11];
	[sflag:s3] =	ssyncadd.s32 $0xFFFFC000  }
0x129: {  	[hbm4b:s0+s2] =	stream.linear.scatter [tilespmem:s12], [sflag:$0x2], $0x4000, $0x38;
	[tilespmem:$0x10800] =	vst v63  }
0x12a: {  	_ =	swait.ge [sflag:s3], $0x4000  }
0x12b: {  	[sflag:s3] =	ssyncset.done $0x0  }
0x12c: {  	s0 =	rddreg [dreg:$0x12];
	[sflag:s3] =	ssyncadd.s32 $0xFFFFC000  }
0x12d: {  	[hbm4b:s0+s2] =	stream.linear.scatter [tilespmem:s11], [sflag:$0x2], $0x4000, $0x38;
	[tilespmem:$0x10800] =	vst v63  }
0x12e: {  	_ =	swait.ge [sflag:s3], $0x4000  }
0x12f: {  	[sflag:s3] =	ssyncset.done $0x0  }
0x130: {  	[sflag:s3] =	ssyncadd.s32 $0xFFFFC000  }
0x131: {  	[hbm4b:s15+s2] =	stream.linear.scatter [tilespmem:s10], [sflag:$0x2], $0x4000, $0x38;
	[tilespmem:$0x10800] =	vst v63  }
0x132: {  	_ =	swait.ge [sflag:s3], $0x4000  }
0x133: {  	[sflag:s3] =	ssyncset.done $0x0  }
0x134: {  	[sflag:s3] =	ssyncadd.s32 $0xFFFFC000  }
0x135: {  	[tilespmem:s13], [sflag:$0x1] =	stream.indirect.gather [hbm4b:s7+s16], $0x80, s17, s16, $0xb8;
	[tilespmem:$0x10800] =	vst v63  }
0x136: {  	_ = 	snop  }
0x137: {  	[tilespmem:s12], [sflag:$0x1] =	stream.indirect.gather [hbm4b:s7+s16], $0x80, s18, s16, $0xb8;
	[tilespmem:$0x10800] =	vst v63  }
0x138: {  	_ = 	snop  }
0x139: {  	[tilespmem:s11], [sflag:$0x1] =	stream.indirect.gather [hbm4b:s5+s16], $0x80, s19, s16, $0xb8;
	[tilespmem:$0x10800] =	vst v63  }
0x13a: {  	_ = 	snop  }
0x13b: {  	[tilespmem:s10], [sflag:$0x1] =	stream.indirect.gather [hbm4b:s5+s16], $0x80, s20, s16, $0xb8;
	[tilespmem:$0x10800] =	vst v63  }
0x13c: {  	_ =	swait.ge [sflag:s14], $0x4000  }
0x13d: {  	[sflag:s14] =	ssyncset.done $0x0  }
0x13e: {  	[sflag:s14] =	ssyncadd.s32 $0xFFFFC000  }
0x13f: {  	_ =	swait.ge [sflag:s14], $0x4000  }
0x140: {  	[sflag:s14] =	ssyncset.done $0x0  }
0x141: {  	[sflag:s14] =	ssyncadd.s32 $0xFFFFC000  }
0x142: {  	_ =	swait.ge [sflag:s14], $0x4000  }
0x143: {  	[sflag:s14] =	ssyncset.done $0x0  }
0x144: {  	[sflag:s14] =	ssyncadd.s32 $0xFFFFC000  }
0x145: {  	_ =	swait.ge [sflag:s14], $0x4000  }
0x146: {  	[sflag:s14] =	ssyncset.done $0x0  }
0x147: {  	[sflag:s14] =	ssyncadd.s32 $0xFFFFC000  }
0x148: {  	[hbm4b:s9+s2] =	stream.linear.scatter [tilespmem:s13], [sflag:$0x2], $0x4000, $0x38;
	[tilespmem:$0x10800] =	vst v63  }
0x149: {  	_ =	swait.ge [sflag:s3], $0x4000  }
0x14a: {  	[sflag:s3] =	ssyncset.done $0x0  }
0x14b: {  	[sflag:s3] =	ssyncadd.s32 $0xFFFFC000  }
0x14c: {  	[hbm4b:s8+s2] =	stream.linear.scatter [tilespmem:s12], [sflag:$0x2], $0x4000, $0x38;
	[tilespmem:$0x10800] =	vst v63  }
0x14d: {  	_ =	swait.ge [sflag:s3], $0x4000  }
0x14e: {  	[sflag:s3] =	ssyncset.done $0x0  }
0x14f: {  	[sflag:s3] =	ssyncadd.s32 $0xFFFFC000  }
0x150: {  	[hbm4b:s6+s2] =	stream.linear.scatter [tilespmem:s11], [sflag:$0x2], $0x4000, $0x38;
	[tilespmem:$0x10800] =	vst v63  }
0x151: {  	p1 =	sne.s32 s1, $0x1;
	_ =	swait.ge [sflag:s3], $0x4000  }
.Ltmp2:
0x152: {  	[sflag:s3] =	ssyncset.done $0x0;
	(pc) =	sbr.rel @p1 .LBB2_2-.Ltmp2, $4  }
0x153: {  	[sflag:s3] =	ssyncadd.s32 $0xFFFFC000  }
0x154: {  	[hbm4b:s4+s2] =	stream.linear.scatter [tilespmem:s10], [sflag:$0x2], $0x4000, $0x38;
	[tilespmem:$0x10800] =	vst v63  }
0x155: {  	_ =	swait.ge [sflag:s3], $0x4000  }
0x156: {  	s1 =	sadd.s32 $0xFFFFFFFF, s1;
	s0 =	rddreg [dreg:$0x4];
	[sflag:s3] =	ssyncset.done $0x0  }
.LBB2_3:
0x157: {  	[sflag:s3] =	ssyncadd.s32 @p0 $0xFFFFC000  }
0x158: {  	[tilespmem:s2], [sflag:$0x2] =	stream.linear.gather [hbm4b:s0+s2], $0x200, $0x38;
	[tilespmem:$0x10800] =	vst v63  }
0x159: {  	_ =	swait.ge [sflag:s3], $0x200  }
0x15a: {  	[sflag:s3] =	ssyncset.done $0x0  }
0x15b: {  	s1 =	rddreg [dreg:$0x5];
	[sflag:s3] =	ssyncadd.s32 $0xFFFFFE00  }
0x15c: {  	[tilespmem:s29], [sflag:$0x2] =	stream.linear.gather [hbm4b:s1+s2], $0x200, $0x38;
	[tilespmem:$0x10800] =	vst v63  }
0x15d: {  	_ =	swait.ge [sflag:s3], $0x200  }
0x15e: {  	[sflag:s3] =	ssyncset.done $0x0  }
0x15f: {  	s1 =	rddreg [dreg:$0x6];
	[sflag:s3] =	ssyncadd.s32 $0xFFFFFE00  }
0x160: {  	[tilespmem:s30], [sflag:$0x2] =	stream.linear.gather [hbm4b:s1+s2], $0x200, $0x38;
	[tilespmem:$0x10800] =	vst v63  }
0x161: {  	_ =	swait.ge [sflag:s3], $0x200  }
0x162: {  	[sflag:s3] =	ssyncset.done $0x0  }
0x163: {  	s1 =	rddreg [dreg:$0x7];
	[sflag:s3] =	ssyncadd.s32 $0xFFFFFE00  }
0x164: {  	[tilespmem:s31], [sflag:$0x2] =	stream.linear.gather [hbm4b:s1+s2], $0x200, $0x38;
	[tilespmem:$0x10800] =	vst v63  }
0x165: {  	_ =	swait.ge [sflag:s3], $0x200  }
0x166: {  	[sflag:s3] =	ssyncset.done $0x0  }
0x167: {  	[sflag:s3] =	ssyncadd.s32 $0xFFFFFE00  }
0x168: {  	[tilespmem:s13], [sflag:$0x1] =	stream.indirect.gather [hbm4b:s7+s16], $0x80, s2, s16, $0xb8;
	[tilespmem:$0x10800] =	vst v63  }
0x169: {  	_ = 	snop  }
0x16a: {  	[tilespmem:s12], [sflag:$0x1] =	stream.indirect.gather [hbm4b:s7+s16], $0x80, s29, s16, $0xb8;
	[tilespmem:$0x10800] =	vst v63  }
0x16b: {  	_ = 	snop  }
0x16c: {  	[tilespmem:s11], [sflag:$0x1] =	stream.indirect.gather [hbm4b:s5+s16], $0x80, s30, s16, $0xb8;
	[tilespmem:$0x10800] =	vst v63  }
0x16d: {  	_ = 	snop  }
0x16e: {  	[tilespmem:s10], [sflag:$0x1] =	stream.indirect.gather [hbm4b:s5+s16], $0x80, s31, s16, $0xb8;
	[tilespmem:$0x10800] =	vst v63  }
0x16f: {  	_ =	swait.ge [sflag:s14], $0x4000  }
0x170: {  	[sflag:s14] =	ssyncset.done $0x0  }
0x171: {  	[sflag:s14] =	ssyncadd.s32 $0xFFFFC000  }
0x172: {  	_ =	swait.ge [sflag:s14], $0x4000  }
0x173: {  	[sflag:s14] =	ssyncset.done $0x0  }
0x174: {  	[sflag:s14] =	ssyncadd.s32 $0xFFFFC000  }
0x175: {  	_ =	swait.ge [sflag:s14], $0x4000  }
0x176: {  	[sflag:s14] =	ssyncset.done $0x0  }
0x177: {  	[sflag:s14] =	ssyncadd.s32 $0xFFFFC000  }
0x178: {  	_ =	swait.ge [sflag:s14], $0x4000  }
0x179: {  	[sflag:s14] =	ssyncset.done $0x0  }
0x17a: {  	s31 =	rddreg [dreg:$0x8];
	[sflag:s14] =	ssyncadd.s32 $0xFFFFC000  }
0x17b: {  	[hbm4b:s31+s2] =	stream.linear.scatter [tilespmem:s13], [sflag:$0x2], $0x4000, $0x38;
	[tilespmem:$0x10800] =	vst v63  }
0x17c: {  	_ =	swait.ge [sflag:s3], $0x4000  }
0x17d: {  	[sflag:s3] =	ssyncset.done $0x0  }
0x17e: {  	s1 =	rddreg [dreg:$0x9];
	[sflag:s3] =	ssyncadd.s32 $0xFFFFC000  }
0x17f: {  	[hbm4b:s1+s2] =	stream.linear.scatter [tilespmem:s12], [sflag:$0x2], $0x4000, $0x38;
	[tilespmem:$0x10800] =	vst v63  }
0x180: {  	_ =	swait.ge [sflag:s3], $0x4000  }
0x181: {  	[sflag:s3] =	ssyncset.done $0x0  }
0x182: {  	s29 =	rddreg [dreg:$0xa];
	[sflag:s3] =	ssyncadd.s32 $0xFFFFC000  }
0x183: {  	[hbm4b:s29+s2] =	stream.linear.scatter [tilespmem:s11], [sflag:$0x2], $0x4000, $0x38;
	[tilespmem:$0x10800] =	vst v63  }
0x184: {  	_ =	swait.ge [sflag:s3], $0x4000  }
0x185: {  	[sflag:s3] =	ssyncset.done $0x0  }
0x186: {  	s30 =	rddreg [dreg:$0xb];
	[sflag:s3] =	ssyncadd.s32 $0xFFFFC000  }
0x187: {  	[hbm4b:s30+s2] =	stream.linear.scatter [tilespmem:s10], [sflag:$0x2], $0x4000, $0x38;
	[tilespmem:$0x10800] =	vst v63  }
0x188: {  	_ =	swait.ge [sflag:s3], $0x4000  }
0x189: {  	[sflag:s3] =	ssyncset.done $0x0  }
0x18a: {  	[sflag:s3] =	ssyncadd.s32 $0xFFFFC000  }
0x18b: {  	[tilespmem:s13], [sflag:$0x1] =	stream.indirect.gather [hbm4b:s7+s16], $0x80, s16, s16, $0xb8;
	[tilespmem:$0x10800] =	vst v63  }
0x18c: {  	_ = 	snop  }
0x18d: {  	[tilespmem:s12], [sflag:$0x1] =	stream.indirect.gather [hbm4b:s7+s16], $0x80, s25, s16, $0xb8;
	[tilespmem:$0x10800] =	vst v63  }
0x18e: {  	_ = 	snop  }
0x18f: {  	[tilespmem:s11], [sflag:$0x1] =	stream.indirect.gather [hbm4b:s5+s16], $0x80, s26, s16, $0xb8;
	[tilespmem:$0x10800] =	vst v63  }
0x190: {  	_ = 	snop  }
0x191: {  	[tilespmem:s10], [sflag:$0x1] =	stream.indirect.gather [hbm4b:s5+s16], $0x80, s28, s16, $0xb8;
	[tilespmem:$0x10800] =	vst v63  }
0x192: {  	_ =	swait.ge [sflag:s14], $0x4000  }
0x193: {  	[sflag:s14] =	ssyncset.done $0x0  }
0x194: {  	[sflag:s14] =	ssyncadd.s32 $0xFFFFC000  }
0x195: {  	_ =	swait.ge [sflag:s14], $0x4000  }
0x196: {  	[sflag:s14] =	ssyncset.done $0x0  }
0x197: {  	[sflag:s14] =	ssyncadd.s32 $0xFFFFC000  }
0x198: {  	_ =	swait.ge [sflag:s14], $0x4000  }
0x199: {  	[sflag:s14] =	ssyncset.done $0x0  }
0x19a: {  	[sflag:s14] =	ssyncadd.s32 $0xFFFFC000  }
0x19b: {  	_ =	swait.ge [sflag:s14], $0x4000  }
0x19c: {  	[sflag:s14] =	ssyncset.done $0x0  }
0x19d: {  	s31 =	rddreg [dreg:$0xc];
	[sflag:s14] =	ssyncadd.s32 $0xFFFFC000  }
0x19e: {  	[hbm4b:s31+s2] =	stream.linear.scatter [tilespmem:s13], [sflag:$0x2], $0x4000, $0x38;
	[tilespmem:$0x10800] =	vst v63  }
0x19f: {  	_ =	swait.ge [sflag:s3], $0x4000  }
0x1a0: {  	[sflag:s3] =	ssyncset.done $0x0  }
0x1a1: {  	s1 =	rddreg [dreg:$0xd];
	[sflag:s3] =	ssyncadd.s32 $0xFFFFC000  }
0x1a2: {  	[hbm4b:s1+s2] =	stream.linear.scatter [tilespmem:s12], [sflag:$0x2], $0x4000, $0x38;
	[tilespmem:$0x10800] =	vst v63  }
0x1a3: {  	_ =	swait.ge [sflag:s3], $0x4000  }
0x1a4: {  	[sflag:s3] =	ssyncset.done $0x0  }
0x1a5: {  	s25 =	rddreg [dreg:$0xe];
	[sflag:s3] =	ssyncadd.s32 $0xFFFFC000  }
0x1a6: {  	[hbm4b:s25+s2] =	stream.linear.scatter [tilespmem:s11], [sflag:$0x2], $0x4000, $0x38;
	[tilespmem:$0x10800] =	vst v63  }
0x1a7: {  	_ =	swait.ge [sflag:s3], $0x4000  }
0x1a8: {  	[sflag:s3] =	ssyncset.done $0x0  }
0x1a9: {  	s26 =	rddreg [dreg:$0xf];
	[sflag:s3] =	ssyncadd.s32 $0xFFFFC000  }
0x1aa: {  	[hbm4b:s26+s2] =	stream.linear.scatter [tilespmem:s10], [sflag:$0x2], $0x4000, $0x38;
	[tilespmem:$0x10800] =	vst v63  }
0x1ab: {  	_ =	swait.ge [sflag:s3], $0x4000  }
0x1ac: {  	[sflag:s3] =	ssyncset.done $0x0  }
0x1ad: {  	[sflag:s3] =	ssyncadd.s32 $0xFFFFC000  }
0x1ae: {  	[tilespmem:s13], [sflag:$0x1] =	stream.indirect.gather [hbm4b:s7+s16], $0x80, s21, s16, $0xb8;
	[tilespmem:$0x10800] =	vst v63  }
0x1af: {  	_ = 	snop  }
0x1b0: {  	[tilespmem:s12], [sflag:$0x1] =	stream.indirect.gather [hbm4b:s7+s16], $0x80, s22, s16, $0xb8;
	[tilespmem:$0x10800] =	vst v63  }
0x1b1: {  	_ = 	snop  }
0x1b2: {  	[tilespmem:s11], [sflag:$0x1] =	stream.indirect.gather [hbm4b:s5+s16], $0x80, s23, s16, $0xb8;
	[tilespmem:$0x10800] =	vst v63  }
0x1b3: {  	_ = 	snop  }
0x1b4: {  	[tilespmem:s10], [sflag:$0x1] =	stream.indirect.gather [hbm4b:s5+s16], $0x80, s24, s16, $0xb8;
	[tilespmem:$0x10800] =	vst v63  }
0x1b5: {  	_ =	swait.ge [sflag:s14], $0x4000  }
0x1b6: {  	[sflag:s14] =	ssyncset.done $0x0  }
0x1b7: {  	[sflag:s14] =	ssyncadd.s32 $0xFFFFC000  }
0x1b8: {  	_ =	swait.ge [sflag:s14], $0x4000  }
0x1b9: {  	[sflag:s14] =	ssyncset.done $0x0  }
0x1ba: {  	[sflag:s14] =	ssyncadd.s32 $0xFFFFC000  }
0x1bb: {  	_ =	swait.ge [sflag:s14], $0x4000  }
0x1bc: {  	[sflag:s14] =	ssyncset.done $0x0  }
0x1bd: {  	[sflag:s14] =	ssyncadd.s32 $0xFFFFC000  }
0x1be: {  	_ =	swait.ge [sflag:s14], $0x4000  }
0x1bf: {  	[sflag:s14] =	ssyncset.done $0x0  }
0x1c0: {  	s28 =	rddreg [dreg:$0x10];
	[sflag:s14] =	ssyncadd.s32 $0xFFFFC000  }
0x1c1: {  	[hbm4b:s28+s2] =	stream.linear.scatter [tilespmem:s13], [sflag:$0x2], $0x4000, $0x38;
	[tilespmem:$0x10800] =	vst v63  }
0x1c2: {  	_ =	swait.ge [sflag:s3], $0x4000  }
0x1c3: {  	[sflag:s3] =	ssyncset.done $0x0  }
0x1c4: {  	s29 =	rddreg [dreg:$0x11];
	[sflag:s3] =	ssyncadd.s32 $0xFFFFC000  }
0x1c5: {  	[hbm4b:s29+s2] =	stream.linear.scatter [tilespmem:s12], [sflag:$0x2], $0x4000, $0x38;
	[tilespmem:$0x10800] =	vst v63  }
0x1c6: {  	_ =	swait.ge [sflag:s3], $0x4000  }
0x1c7: {  	[sflag:s3] =	ssyncset.done $0x0  }
0x1c8: {  	s30 =	rddreg [dreg:$0x12];
	[sflag:s3] =	ssyncadd.s32 $0xFFFFC000  }
0x1c9: {  	[hbm4b:s30+s2] =	stream.linear.scatter [tilespmem:s11], [sflag:$0x2], $0x4000, $0x38;
	[tilespmem:$0x10800] =	vst v63  }
0x1ca: {  	_ =	swait.ge [sflag:s3], $0x4000  }
0x1cb: {  	[sflag:s3] =	ssyncset.done $0x0  }
0x1cc: {  	[sflag:s3] =	ssyncadd.s32 $0xFFFFC000  }
0x1cd: {  	[hbm4b:s15+s2] =	stream.linear.scatter [tilespmem:s10], [sflag:$0x2], $0x4000, $0x38;
	[tilespmem:$0x10800] =	vst v63  }
0x1ce: {  	_ =	swait.ge [sflag:s3], $0x4000  }
0x1cf: {  	[sflag:s3] =	ssyncset.done $0x0  }
0x1d0: {  	[sflag:s3] =	ssyncadd.s32 $0xFFFFC000  }
0x1d1: {  	[tilespmem:s13], [sflag:$0x1] =	stream.indirect.gather [hbm4b:s7+s16], $0x80, s17, s16, $0xb8;
	[tilespmem:$0x10800] =	vst v63  }
0x1d2: {  	_ = 	snop  }
0x1d3: {  	[tilespmem:s12], [sflag:$0x1] =	stream.indirect.gather [hbm4b:s7+s16], $0x80, s18, s16, $0xb8;
	[tilespmem:$0x10800] =	vst v63  }
0x1d4: {  	_ = 	snop  }
0x1d5: {  	[tilespmem:s11], [sflag:$0x1] =	stream.indirect.gather [hbm4b:s5+s16], $0x80, s19, s16, $0xb8;
	[tilespmem:$0x10800] =	vst v63  }
0x1d6: {  	_ = 	snop  }
0x1d7: {  	[tilespmem:s10], [sflag:$0x1] =	stream.indirect.gather [hbm4b:s5+s16], $0x80, s20, s16, $0xb8;
	[tilespmem:$0x10800] =	vst v63  }
0x1d8: {  	_ =	swait.ge [sflag:s14], $0x4000  }
0x1d9: {  	[sflag:s14] =	ssyncset.done $0x0  }
0x1da: {  	[sflag:s14] =	ssyncadd.s32 $0xFFFFC000  }
0x1db: {  	_ =	swait.ge [sflag:s14], $0x4000  }
0x1dc: {  	[sflag:s14] =	ssyncset.done $0x0  }
0x1dd: {  	[sflag:s14] =	ssyncadd.s32 $0xFFFFC000  }
0x1de: {  	_ =	swait.ge [sflag:s14], $0x4000  }
0x1df: {  	[sflag:s14] =	ssyncset.done $0x0  }
0x1e0: {  	[sflag:s14] =	ssyncadd.s32 $0xFFFFC000  }
0x1e1: {  	_ =	swait.ge [sflag:s14], $0x4000  }
0x1e2: {  	[sflag:s14] =	ssyncset.done $0x0  }
0x1e3: {  	[sflag:s14] =	ssyncadd.s32 $0xFFFFC000  }
0x1e4: {  	[hbm4b:s9+s2] =	stream.linear.scatter [tilespmem:s13], [sflag:$0x2], $0x4000, $0x38;
	[tilespmem:$0x10800] =	vst v63  }
0x1e5: {  	_ =	swait.ge [sflag:s3], $0x4000  }
0x1e6: {  	[sflag:s3] =	ssyncset.done $0x0  }
0x1e7: {  	[sflag:s3] =	ssyncadd.s32 $0xFFFFC000  }
0x1e8: {  	[hbm4b:s8+s2] =	stream.linear.scatter [tilespmem:s12], [sflag:$0x2], $0x4000, $0x38;
	[tilespmem:$0x10800] =	vst v63  }
0x1e9: {  	_ =	swait.ge [sflag:s3], $0x4000  }
0x1ea: {  	[sflag:s3] =	ssyncset.done $0x0  }
0x1eb: {  	[sflag:s3] =	ssyncadd.s32 $0xFFFFC000  }
0x1ec: {  	[hbm4b:s6+s2] =	stream.linear.scatter [tilespmem:s11], [sflag:$0x2], $0x4000, $0x38;
	[tilespmem:$0x10800] =	vst v63  }
0x1ed: {  	_ =	swait.ge [sflag:s3], $0x4000  }
0x1ee: {  	[sflag:s3] =	ssyncset.done $0x0  }
0x1ef: {  	[sflag:s3] =	ssyncadd.s32 $0xFFFFC000  }
0x1f0: {  	[hbm4b:s4+s2] =	stream.linear.scatter [tilespmem:s10], [sflag:$0x2], $0x4000, $0x38;
	[tilespmem:$0x10800] =	vst v63  }
0x1f1: {  	_ =	swait.ge [sflag:s3], $0x4000  }
0x1f2: {  	[sflag:s3] =	ssyncset.done $0x0  }
0x1f3: {  	[sflag:s3] =	ssyncadd.s32 $0xFFFFC000  }
0x1f4: {  	_ =	sfence.sel $0x180000  }
0x1f5: {  	[bflag:$0x0] =	sbarrier.arrive $0xFFFF  }
0x1f6: {  	_ =	strace $0x90000047  }
0x1f7: {  	s31 =	stileid.u32;
	[bflag:$0x2] =	sbarrier.arrive $0xFFFF  }
0x1f8: {  	p0 =	sne.s32 s31, $0x0;
	s0 =	rddreg [dreg:$0x3]  }
0x1f9: {  	s0 =	sadd.s32 @!p0 $0x100000, s0  }
0x1fa: {  	[sflag:s0] =	ssyncadd.tile.s32 @!p0 $0x1;
	_ =	shalt  }
.Lfunc_end2:
_tile_overlayer_lowered:
.L_overlay_start_2:
0x1fb: {  	(tag) =	ssettag $0x2  }
0x1fc: {  	s0 =	rddreg [dreg:$0x0];
	s2 =	stileid.u32  }
0x1fd: {  	s1 =	rddreg [dreg:$0x1];
	p0 =	sne.s32 s2, $0x0  }
0x1fe: {  	s3 =	rddreg [dreg:$0x2];
	[bflag:$0x3] =	sbarrier.arrive $0xFFFF;
	s2 =	simm.s32 @!p0 $0x1C02  }
0x1ff: {  	[timem:s3], [sflag:s2] =	dma.local @!p0 [hbm:s0], s1  }
0x200: {  	s0 =	simm.s32 @!p0 $0x2  }
0x201: {  	_ =	swait.ge @!p0 [sflag:s0], s1  }
0x202: {  	s1 =	ssub.s32 @!p0 $0x0, s1;
	[sflag:s0] =	ssyncset.done @!p0 $0x0  }
0x203: {  	[sflag:s0] =	ssyncadd.s32 @!p0 s1  }
0x204: {  	[bflag:$0x3] =	sbarrier.arrive $0xFFFF  }
0x205: {  	_ =	shalt  }

</sc_bundles>
